<compile_context>
chip_gen: v7x
topology: tpu7x:2x2x1
jax: 0.10.2.dev20260603
libtpu: 0.0.44.dev20260713+nightly
codegen_flags: <defaults>
</compile_context>

<pallas_src>
import functools

import jax
import jax.numpy as jnp
from jax import lax
from jax.experimental import pallas as pl
from jax.experimental.pallas import tpu as pltpu
from jax.experimental.pallas import tpu_sc as plsc

B = 16384
NCAT = 26
NNUM = 13
VOCAB = 100000
EMB = 4
DEEP_IN = EMB * NCAT + NNUM

NC = 2
NS = 16
NW = NC * NS
N_IDX = B * NCAT
N_PER_W = N_IDX // NW
CH = 128
HALVES = 2
W_HALF = N_PER_W // HALVES
D_HALF = W_HALF * EMB
WCH = W_HALF // CH
DCH = D_HALF // CH

BM = 1024


def _sc_deep_body(deep_tab, idxb_hbm, deep_out,
                  idxb_v, idxe_v, deep_v, sem_d):
    c = lax.axis_index("c")
    s = lax.axis_index("s")
    wid = s * NC + c
    lane = lax.iota(jnp.int32, 16)
    c4 = lax.shift_right_logical(lane, 2)
    m4 = lax.bitwise_and(lane, 3) * VOCAB

    pltpu.sync_copy(idxb_hbm.at[wid], idxb_v)

    def expand(g, cy):
        base = plsc.load_gather(idxb_v, [4 * g + c4])
        idxe_v[pl.ds(g * 16, 16)] = base + m4
        return cy

    lax.fori_loop(0, N_PER_W * EMB // 16, expand, 0)

    def fire_d(j, cy):
        pltpu.async_copy(deep_tab.at[idxe_v.at[pl.ds(j * CH, CH)]],
                         deep_v.at[pl.ds(j * CH, CH)], sem_d)
        return cy

    lax.fori_loop(0, N_PER_W * EMB // CH, fire_d, 0)
    pltpu.make_async_copy(deep_out.at[wid], deep_v, sem_d).wait()
    pltpu.sync_copy(deep_v, deep_out.at[wid])


def _sc_wide_body(wide_tab, idxw_hbm, wide_out, idxw_v, wide_v, sem_w):
    c = lax.axis_index("c")
    s = lax.axis_index("s")
    wid = s * NC + c
    pltpu.sync_copy(idxw_hbm.at[wid], idxw_v)

    def fire_w(j, cy):
        pltpu.async_copy(wide_tab.at[idxw_v.at[pl.ds(j * CH, CH)]],
                         wide_v.at[pl.ds(j * CH, CH)], sem_w)
        return cy

    lax.fori_loop(0, N_PER_W // CH, fire_w, 0)
    pltpu.make_async_copy(wide_out.at[wid], wide_v, sem_w).wait()
    pltpu.sync_copy(wide_v, wide_out.at[wid])


def _sc_mesh():
    return plsc.VectorSubcoreMesh(core_axis_name="c", subcore_axis_name="s",
                                  num_cores=NC, num_subcores=NS)


def _sc_deep(deep_tab, idxb):
    f = pl.kernel(
        _sc_deep_body,
        out_type=jax.ShapeDtypeStruct((NW, N_PER_W * EMB), jnp.float32),
        mesh=_sc_mesh(),
        scratch_types=[
            pltpu.VMEM((N_PER_W,), jnp.int32),
            pltpu.VMEM((N_PER_W * EMB,), jnp.int32),
            pltpu.VMEM((N_PER_W * EMB,), jnp.float32),
            pltpu.SemaphoreType.DMA,
        ],
        compiler_params=pltpu.CompilerParams(use_tc_tiling_on_sc=False,
                                             needs_layout_passes=False),
    )
    return f(deep_tab, idxb)


def _sc_wide(wide_tab, idxw):
    f = pl.kernel(
        _sc_wide_body,
        out_type=jax.ShapeDtypeStruct((NW, N_PER_W), jnp.float32),
        mesh=_sc_mesh(),
        scratch_types=[
            pltpu.VMEM((N_PER_W,), jnp.int32),
            pltpu.VMEM((N_PER_W,), jnp.float32),
            pltpu.SemaphoreType.DMA,
        ],
        compiler_params=pltpu.CompilerParams(use_tc_tiling_on_sc=False,
                                             needs_layout_passes=False),
    )
    return f(wide_tab, idxw)


def _mlp_body(num_ref, deepg_ref, wide_ref, w1_ref, b1_ref,
              w2_ref, b2_ref, w3_ref, b3_ref, wd_ref, bd_ref,
              wf_ref, bf_ref, out_ref):
    bf = jnp.bfloat16
    f32 = jnp.float32

    def bdot(a, w):
        return jax.lax.dot_general(a.astype(bf), w.astype(bf),
                                   (((1,), (0,)), ((), ())),
                                   preferred_element_type=f32)

    def rnd(v):
        return v.astype(bf).astype(f32)

    deep_in = jnp.concatenate([num_ref[...], deepg_ref[...]], axis=1)
    h = jnp.maximum(bdot(deep_in, w1_ref[...]) + b1_ref[...], 0.0)
    h = jnp.maximum(bdot(h, w2_ref[...]) + b2_ref[...], 0.0)
    h = jnp.maximum(bdot(h, w3_ref[...]) + b3_ref[...], 0.0)
    d = bdot(h, wd_ref[...]) + bd_ref[0, 0]
    w = jnp.sum(wide_ref[...], axis=1, keepdims=True)
    w = w + w
    wb, db = rnd(w), rnd(d)
    o0 = wb * rnd(wf_ref[0, 0]) + db * rnd(wf_ref[0, 1]) + bf_ref[0, 0]
    o1 = wb * rnd(wf_ref[1, 0]) + db * rnd(wf_ref[1, 1]) + bf_ref[0, 1]
    z = jnp.concatenate([o0, o1], axis=1)
    out_ref[...] = jax.nn.sigmoid(z)


def _mlp(num_x, deepg, wide, W1, b1, W2, b2, W3, b3, Wd, bd, Wf, bf):
    grid = (B // BM,)
    row = lambda i: (i, 0)
    whole = lambda i: (0, 0)
    smem = functools.partial(pl.BlockSpec, memory_space=pltpu.SMEM)
    return pl.pallas_call(
        _mlp_body,
        grid=grid,
        in_specs=[
            pl.BlockSpec((BM, NNUM), row),
            pl.BlockSpec((BM, EMB * NCAT), row),
            pl.BlockSpec((BM, NCAT), row),
            pl.BlockSpec((DEEP_IN, 1024), whole),
            pl.BlockSpec((1, 1024), whole),
            pl.BlockSpec((1024, 512), whole),
            pl.BlockSpec((1, 512), whole),
            pl.BlockSpec((512, 256), whole),
            pl.BlockSpec((1, 256), whole),
            pl.BlockSpec((256, 1), whole),
            smem((1, 1), whole),
            smem((2, 2), whole),
            smem((1, 2), whole),
        ],
        out_specs=pl.BlockSpec((BM, 2), row),
        out_shape=jax.ShapeDtypeStruct((B, 2), jnp.float32),
        compiler_params=pltpu.CompilerParams(
            dimension_semantics=("parallel",)),
    )(num_x, deepg, wide, W1, b1, W2, b2, W3, b3, Wd, bd, Wf, bf)


def kernel(x, wide_emb, deep_emb, Wn, bn, W1, b1, W2, b2, W3, b3, Wd, bd, Wf, bf):
    idx0 = x[:, :NCAT].astype(jnp.int32)
    idxw = (idx0 + jnp.arange(NCAT, dtype=jnp.int32) * VOCAB
            ).reshape(NW, N_PER_W)
    idxb = (idx0 + jnp.arange(NCAT, dtype=jnp.int32) * (EMB * VOCAB)
            ).reshape(NW, N_PER_W)
    deep_tab = deep_emb.transpose(0, 2, 1).reshape(NCAT * VOCAB * EMB)
    wide_tab = wide_emb.reshape(NCAT * VOCAB)

    deep_g = _sc_deep(deep_tab, idxb)
    wide_g = _sc_wide(wide_tab, idxw)
    deepg = deep_g.reshape(B, NCAT * EMB)
    wide = wide_g.reshape(B, NCAT)

    num_x = x[:, NCAT:]
    return _mlp(num_x, deepg, wide,
                W1, b1.reshape(1, 1024),
                W2, b2.reshape(1, 512), W3, b3.reshape(1, 256),
                Wd, bd.reshape(1, 1), Wf, bf.reshape(1, 2))

# --- scband reference (transcript-rebuilt; emitter-appended) ---
"""Pipeline reference for scband-wide-deep-77446850281998 (READ-ONLY COPY).

The authoritative reference and input builder live on the scoring server;
editing this copy changes nothing except your own understanding.
"""

import jax, jax.numpy as jnp
import numpy as np

B = 16384
NCAT = 26
NNUM = 13
VOCAB = 100000
EMB = 4
DEEP_IN = EMB * NCAT + NNUM  # 117


def setup_inputs(seed: int = 0) -> dict:
    key = jax.random.key(seed)
    ks = jax.random.split(key, 20)
    # x: first NCAT columns are categorical indices (stored as float, cast with .long() in torch),
    # remaining NNUM columns are numeric features. Honoring fill=randint for the whole tensor.
    x = jax.random.randint(ks[0], (B, NCAT + NNUM), 0, VOCAB).astype(jnp.float32)
    wide_emb = jax.random.normal(ks[1], (NCAT, VOCAB, 1), dtype=jnp.float32) * 0.01
    deep_emb = jax.random.normal(ks[2], (NCAT, VOCAB, EMB), dtype=jnp.float32) * 0.01
    Wn = jax.random.normal(ks[3], (NNUM, 1), dtype=jnp.float32) * 0.1
    bn = jnp.zeros((1,), dtype=jnp.float32)
    W1 = jax.random.normal(ks[4], (DEEP_IN, 1024), dtype=jnp.float32) * (1.0 / np.sqrt(DEEP_IN))
    b1 = jnp.zeros((1024,), dtype=jnp.float32)
    W2 = jax.random.normal(ks[5], (1024, 512), dtype=jnp.float32) * (1.0 / np.sqrt(1024))
    b2 = jnp.zeros((512,), dtype=jnp.float32)
    W3 = jax.random.normal(ks[6], (512, 256), dtype=jnp.float32) * (1.0 / np.sqrt(512))
    b3 = jnp.zeros((256,), dtype=jnp.float32)
    Wd = jax.random.normal(ks[7], (256, 1), dtype=jnp.float32) * (1.0 / np.sqrt(256))
    bd = jnp.zeros((1,), dtype=jnp.float32)
    Wf = jax.random.normal(ks[8], (2, 2), dtype=jnp.float32) * 0.5
    bf = jnp.zeros((2,), dtype=jnp.float32)
    return {"x": x, "wide_emb": wide_emb, "deep_emb": deep_emb, "Wn": Wn, "bn": bn,
            "W1": W1, "b1": b1, "W2": W2, "b2": b2, "W3": W3, "b3": b3,
            "Wd": Wd, "bd": bd, "Wf": Wf, "bf": bf}


def reference(x, wide_emb, deep_emb, Wn, bn, W1, b1, W2, b2, W3, b3, Wd, bd, Wf, bf):
    cat_x = x[:, :NCAT]
    num_x = x[:, NCAT:]
    idx = cat_x.astype(jnp.int32)  # .long() in torch
    # wide_num_output is computed in the torch forward but never used (kept faithful)
    wide_num_output = num_x @ Wn + bn
    # wide side: per-field scalar embeddings, summed
    wide_cat_output = jnp.zeros((x.shape[0], 1), dtype=jnp.float32)
    for i in range(NCAT):
        wide_cat_output = wide_cat_output + jnp.take(wide_emb[i], idx[:, i], axis=0)
    wide_output = wide_cat_output + wide_cat_output
    # deep side: concat numeric with all deep embeddings
    deep_in = num_x
    for i in range(NCAT):
        deep_in = jnp.concatenate([deep_in, jnp.take(deep_emb[i], idx[:, i], axis=0)], axis=1)
    h = jax.nn.relu(deep_in @ W1 + b1)  # dropout is identity in eval mode
    h = jax.nn.relu(h @ W2 + b2)
    h = jax.nn.relu(h @ W3 + b3)
    deep_output = h @ Wd + bd
    out = jax.nn.sigmoid(jnp.concatenate([wide_output, deep_output], axis=1) @ Wf.T + bf)
    return out

if __name__ == "__main__":
    import jax
    _d = setup_inputs()
    print(jax.jit(kernel)(*tuple(_d.values())))

</pallas_src>

<mosaic_0001>
#map = affine_map<(d0, d1) -> (0)>
#map1 = affine_map<(d0, d1) -> (0, 0)>
module attributes {stable_mosaic.version = 14 : i64} {
  func.func @_sc_deep_body(%arg0: i32, %arg1: i32, %arg2: memref<10400000xf32, #tpu.memory_space<hbm>>, %arg3: memref<32x13312xi32, #tpu.memory_space<hbm>>, %arg4: memref<32x53248xf32, #tpu.memory_space<hbm>>, %arg5: memref<13312xi32, #tpu.memory_space<vmem>>, %arg6: memref<53248xi32, #tpu.memory_space<vmem>>, %arg7: memref<53248xf32, #tpu.memory_space<vmem>>, %arg8: memref<!tpu.dma_semaphore, #tpu.memory_space<semaphore_mem>>) attributes {dimension_semantics = [#tpu.dimension_semantics<core_parallel>, #tpu.dimension_semantics<subcore_parallel>], iteration_bounds = array<i64: 2, 16>, scalar_prefetch = 0 : i64, scratch_operands = 4 : i64, tpu.core_type = #tpu.core_type<sc_vector_subcore>, window_params = [{transform_indices = #map}, {transform_indices = #map1}, {transform_indices = #map1}]} {
    %mul3A = arith.constant 2 : i32
    %mul3A_0 = arith.muli %arg1, %mul3A : i32
    %add3A = arith.addi %mul3A_0, %arg0 : i32
    %iota3A = tpu.iota {dimensions = array<i32: 0>} : vector<16xi32>
    %shift_right_logical3A = arith.constant 2 : i32
    %shift_right_logical3A_1 = vector.broadcast %shift_right_logical3A : i32 to vector<16xi32>
    %shift_right_logical3A_2 = arith.shrui %iota3A, %shift_right_logical3A_1 : vector<16xi32>
    %and3A = arith.constant 3 : i32
    %and3A_3 = vector.broadcast %and3A : i32 to vector<16xi32>
    %and3A_4 = arith.andi %iota3A, %and3A_3 : vector<16xi32>
    %mul3A_5 = arith.constant 100000 : i32
    %mul3A_6 = vector.broadcast %mul3A_5 : i32 to vector<16xi32>
    %mul3A_7 = arith.muli %and3A_4, %mul3A_6 : vector<16xi32>
    "tpu.region"() ({
      %run_scoped3A = tpu.sem_alloc : memref<!tpu.dma_semaphore, #tpu.memory_space<semaphore_mem>>
      %dma_start3A = arith.constant 0 : i32
      %dma_start3A_24 = tpu.memref_slice %arg3[%add3A, %dma_start3A] : memref<32x13312xi32, #tpu.memory_space<hbm>> -> memref<1x13312xi32, #tpu.memory_space<hbm>>
      %dma_start3A_25 = tpu.memref_squeeze %dma_start3A_24 : memref<1x13312xi32, #tpu.memory_space<hbm>> -> memref<13312xi32, #tpu.memory_space<hbm>>
      %dma_start3A_26 = arith.constant 0 : i32
      %dma_start3A_27 = tpu.memref_slice %arg3[%add3A, %dma_start3A_26] : memref<32x13312xi32, #tpu.memory_space<hbm>> -> memref<1x13312xi32, #tpu.memory_space<hbm>>
      %dma_start3A_28 = tpu.memref_squeeze %dma_start3A_27 : memref<1x13312xi32, #tpu.memory_space<hbm>> -> memref<13312xi32, #tpu.memory_space<hbm>>
      tpu.enqueue_dma source(%dma_start3A_28 : memref<13312xi32, #tpu.memory_space<hbm>>) target(%arg5 : memref<13312xi32, #tpu.memory_space<vmem>>) target_semaphore(%run_scoped3A : memref<!tpu.dma_semaphore, #tpu.memory_space<semaphore_mem>>)
      %dma_wait3A_29 = arith.constant 0 : i32
      %dma_wait3A_30 = tpu.memref_slice %arg3[%add3A, %dma_wait3A_29] : memref<32x13312xi32, #tpu.memory_space<hbm>> -> memref<1x13312xi32, #tpu.memory_space<hbm>>
      %dma_wait3A_31 = tpu.memref_squeeze %dma_wait3A_30 : memref<1x13312xi32, #tpu.memory_space<hbm>> -> memref<13312xi32, #tpu.memory_space<hbm>>
      %dma_wait3A_32 = arith.constant 0 : i32
      %dma_wait3A_33 = tpu.memref_slice %arg3[%add3A, %dma_wait3A_32] : memref<32x13312xi32, #tpu.memory_space<hbm>> -> memref<1x13312xi32, #tpu.memory_space<hbm>>
      %dma_wait3A_34 = tpu.memref_squeeze %dma_wait3A_33 : memref<1x13312xi32, #tpu.memory_space<hbm>> -> memref<13312xi32, #tpu.memory_space<hbm>>
      tpu.wait_dma2 semaphore(%run_scoped3A : memref<!tpu.dma_semaphore, #tpu.memory_space<semaphore_mem>>) src(%dma_wait3A_34 : memref<13312xi32, #tpu.memory_space<hbm>>) dst(%arg5 : memref<13312xi32, #tpu.memory_space<vmem>>)
      tpu.yield
    }) : () -> ()
    %scan3A = arith.constant 0 : i32
    %scan3A_8 = arith.constant 0 : i32
    %scan3A_9 = arith.constant 3328 : i32
    %scan3A_10 = arith.addi %scan3A_8, %scan3A_9 : i32
    %scan3A_11 = arith.constant 1 : i32
    scf.for %scan3A_24 = %scan3A_8 to %scan3A_10 step %scan3A_11  : i32 {
      %mul3A_25 = arith.constant 4 : i32
      %mul3A_26 = arith.muli %mul3A_25, %scan3A_24 : i32
      %add3A_27 = vector.broadcast %mul3A_26 : i32 to vector<16xi32>
      %add3A_28 = arith.addi %add3A_27, %shift_right_logical3A_2 : vector<16xi32>
      %gather3A = tpu.vector_load_idx %arg5[%add3A_28] : memref<13312xi32, #tpu.memory_space<vmem>>[vector<16xi32>], vector<16xi32>,
      %add3A_29 = arith.addi %gather3A, %mul3A_7 : vector<16xi32>
      %mul3A_30 = arith.constant 16 : i32
      %mul3A_31 = arith.muli %scan3A_24, %mul3A_30 : i32
      %swap3A = arith.index_cast %mul3A_31 : i32 to index
      %swap3A_32 = tpu.vector_load %arg6[%swap3A] {strides = array<i32>} : memref<53248xi32, #tpu.memory_space<vmem>>, vector<16xi32>,
      tpu.vector_store %arg6[%swap3A], %add3A_29 {strides = array<i32>} : memref<53248xi32, #tpu.memory_space<vmem>>, vector<16xi32>,
    }
    %scan3A_12 = arith.constant 3328 : i32
    %scan3A_13 = arith.constant 0 : i32
    %scan3A_14 = arith.constant 0 : i32
    %scan3A_15 = arith.constant 416 : i32
    %scan3A_16 = arith.addi %scan3A_14, %scan3A_15 : i32
    %scan3A_17 = arith.constant 1 : i32
    scf.for %scan3A_24 = %scan3A_14 to %scan3A_16 step %scan3A_17  : i32 {
      %mul3A_25 = arith.constant 128 : i32
      %mul3A_26 = arith.muli %scan3A_24, %mul3A_25 : i32
      %mul3A_27 = arith.constant 128 : i32
      %mul3A_28 = arith.muli %scan3A_24, %mul3A_27 : i32
      %dma_start3A = tpu.memref_slice %arg7[%mul3A_28] : memref<53248xf32, #tpu.memory_space<vmem>> -> memref<128xf32, #tpu.memory_space<vmem>>
      %dma_start3A_29 = tpu.memref_slice %arg6[%mul3A_26] : memref<53248xi32, #tpu.memory_space<vmem>> -> memref<128xi32, #tpu.memory_space<vmem>>
      %dma_start3A_30 = arith.constant 0 : i32
      %dma_start3A_31 = tpu.memref_slice %arg2[%dma_start3A_30] : memref<10400000xf32, #tpu.memory_space<hbm>> -> memref<10400000xf32, #tpu.memory_space<hbm>>
      tpu.enqueue_indirect_dma source(%dma_start3A_31 : memref<10400000xf32, #tpu.memory_space<hbm>>) target(%dma_start3A : memref<128xf32, #tpu.memory_space<vmem>>) offsets(%dma_start3A_29 : memref<128xi32, #tpu.memory_space<vmem>>) semaphore(%arg8 : memref<!tpu.dma_semaphore, #tpu.memory_space<semaphore_mem>>)
    }
    %scan3A_18 = arith.constant 416 : i32
    %dma_wait3A = arith.constant 0 : i32
    %dma_wait3A_19 = tpu.memref_slice %arg4[%add3A, %dma_wait3A] : memref<32x53248xf32, #tpu.memory_space<hbm>> -> memref<1x53248xf32, #tpu.memory_space<hbm>>
    %dma_wait3A_20 = tpu.memref_squeeze %dma_wait3A_19 : memref<1x53248xf32, #tpu.memory_space<hbm>> -> memref<53248xf32, #tpu.memory_space<hbm>>
    %dma_wait3A_21 = arith.constant 0 : i32
    %dma_wait3A_22 = tpu.memref_slice %arg4[%add3A, %dma_wait3A_21] : memref<32x53248xf32, #tpu.memory_space<hbm>> -> memref<1x53248xf32, #tpu.memory_space<hbm>>
    %dma_wait3A_23 = tpu.memref_squeeze %dma_wait3A_22 : memref<1x53248xf32, #tpu.memory_space<hbm>> -> memref<53248xf32, #tpu.memory_space<hbm>>
    tpu.wait_dma2 semaphore(%arg8 : memref<!tpu.dma_semaphore, #tpu.memory_space<semaphore_mem>>) src(%dma_wait3A_23 : memref<53248xf32, #tpu.memory_space<hbm>>) dst(%arg7 : memref<53248xf32, #tpu.memory_space<vmem>>)
    "tpu.region"() ({
      %run_scoped3A = tpu.sem_alloc : memref<!tpu.dma_semaphore, #tpu.memory_space<semaphore_mem>>
      %dma_start3A = arith.constant 0 : i32
      %dma_start3A_24 = tpu.memref_slice %arg4[%add3A, %dma_start3A] : memref<32x53248xf32, #tpu.memory_space<hbm>> -> memref<1x53248xf32, #tpu.memory_space<hbm>>
      %dma_start3A_25 = tpu.memref_squeeze %dma_start3A_24 : memref<1x53248xf32, #tpu.memory_space<hbm>> -> memref<53248xf32, #tpu.memory_space<hbm>>
      %dma_start3A_26 = arith.constant 0 : i32
      %dma_start3A_27 = tpu.memref_slice %arg4[%add3A, %dma_start3A_26] : memref<32x53248xf32, #tpu.memory_space<hbm>> -> memref<1x53248xf32, #tpu.memory_space<hbm>>
      %dma_start3A_28 = tpu.memref_squeeze %dma_start3A_27 : memref<1x53248xf32, #tpu.memory_space<hbm>> -> memref<53248xf32, #tpu.memory_space<hbm>>
      tpu.enqueue_dma source(%arg7 : memref<53248xf32, #tpu.memory_space<vmem>>) target(%dma_start3A_28 : memref<53248xf32, #tpu.memory_space<hbm>>) target_semaphore(%run_scoped3A : memref<!tpu.dma_semaphore, #tpu.memory_space<semaphore_mem>>)
      %dma_wait3A_29 = arith.constant 0 : i32
      %dma_wait3A_30 = tpu.memref_slice %arg4[%add3A, %dma_wait3A_29] : memref<32x53248xf32, #tpu.memory_space<hbm>> -> memref<1x53248xf32, #tpu.memory_space<hbm>>
      %dma_wait3A_31 = tpu.memref_squeeze %dma_wait3A_30 : memref<1x53248xf32, #tpu.memory_space<hbm>> -> memref<53248xf32, #tpu.memory_space<hbm>>
      %dma_wait3A_32 = arith.constant 0 : i32
      %dma_wait3A_33 = tpu.memref_slice %arg4[%add3A, %dma_wait3A_32] : memref<32x53248xf32, #tpu.memory_space<hbm>> -> memref<1x53248xf32, #tpu.memory_space<hbm>>
      %dma_wait3A_34 = tpu.memref_squeeze %dma_wait3A_33 : memref<1x53248xf32, #tpu.memory_space<hbm>> -> memref<53248xf32, #tpu.memory_space<hbm>>
      tpu.wait_dma2 semaphore(%run_scoped3A : memref<!tpu.dma_semaphore, #tpu.memory_space<semaphore_mem>>) src(%arg7 : memref<53248xf32, #tpu.memory_space<vmem>>) dst(%dma_wait3A_34 : memref<53248xf32, #tpu.memory_space<hbm>>)
      tpu.yield
    }) : () -> ()
    return
  }
}

#map = affine_map<(d0, d1) -> (0)>
#map1 = affine_map<(d0, d1) -> (0, 0)>
module attributes {stable_mosaic.version = 14 : i64} {
  func.func @_sc_wide_body(%arg0: i32, %arg1: i32, %arg2: memref<2600000xf32, #tpu.memory_space<hbm>>, %arg3: memref<32x13312xi32, #tpu.memory_space<hbm>>, %arg4: memref<32x13312xf32, #tpu.memory_space<hbm>>, %arg5: memref<13312xi32, #tpu.memory_space<vmem>>, %arg6: memref<13312xf32, #tpu.memory_space<vmem>>, %arg7: memref<!tpu.dma_semaphore, #tpu.memory_space<semaphore_mem>>) attributes {dimension_semantics = [#tpu.dimension_semantics<core_parallel>, #tpu.dimension_semantics<subcore_parallel>], iteration_bounds = array<i64: 2, 16>, scalar_prefetch = 0 : i64, scratch_operands = 3 : i64, tpu.core_type = #tpu.core_type<sc_vector_subcore>, window_params = [{transform_indices = #map}, {transform_indices = #map1}, {transform_indices = #map1}]} {
    %mul3A = arith.constant 2 : i32
    %mul3A_0 = arith.muli %arg1, %mul3A : i32
    %add3A = arith.addi %mul3A_0, %arg0 : i32
    "tpu.region"() ({
      %run_scoped3A = tpu.sem_alloc : memref<!tpu.dma_semaphore, #tpu.memory_space<semaphore_mem>>
      %dma_start3A = arith.constant 0 : i32
      %dma_start3A_11 = tpu.memref_slice %arg3[%add3A, %dma_start3A] : memref<32x13312xi32, #tpu.memory_space<hbm>> -> memref<1x13312xi32, #tpu.memory_space<hbm>>
      %dma_start3A_12 = tpu.memref_squeeze %dma_start3A_11 : memref<1x13312xi32, #tpu.memory_space<hbm>> -> memref<13312xi32, #tpu.memory_space<hbm>>
      %dma_start3A_13 = arith.constant 0 : i32
      %dma_start3A_14 = tpu.memref_slice %arg3[%add3A, %dma_start3A_13] : memref<32x13312xi32, #tpu.memory_space<hbm>> -> memref<1x13312xi32, #tpu.memory_space<hbm>>
      %dma_start3A_15 = tpu.memref_squeeze %dma_start3A_14 : memref<1x13312xi32, #tpu.memory_space<hbm>> -> memref<13312xi32, #tpu.memory_space<hbm>>
      tpu.enqueue_dma source(%dma_start3A_15 : memref<13312xi32, #tpu.memory_space<hbm>>) target(%arg5 : memref<13312xi32, #tpu.memory_space<vmem>>) target_semaphore(%run_scoped3A : memref<!tpu.dma_semaphore, #tpu.memory_space<semaphore_mem>>)
      %dma_wait3A_16 = arith.constant 0 : i32
      %dma_wait3A_17 = tpu.memref_slice %arg3[%add3A, %dma_wait3A_16] : memref<32x13312xi32, #tpu.memory_space<hbm>> -> memref<1x13312xi32, #tpu.memory_space<hbm>>
      %dma_wait3A_18 = tpu.memref_squeeze %dma_wait3A_17 : memref<1x13312xi32, #tpu.memory_space<hbm>> -> memref<13312xi32, #tpu.memory_space<hbm>>
      %dma_wait3A_19 = arith.constant 0 : i32
      %dma_wait3A_20 = tpu.memref_slice %arg3[%add3A, %dma_wait3A_19] : memref<32x13312xi32, #tpu.memory_space<hbm>> -> memref<1x13312xi32, #tpu.memory_space<hbm>>
      %dma_wait3A_21 = tpu.memref_squeeze %dma_wait3A_20 : memref<1x13312xi32, #tpu.memory_space<hbm>> -> memref<13312xi32, #tpu.memory_space<hbm>>
      tpu.wait_dma2 semaphore(%run_scoped3A : memref<!tpu.dma_semaphore, #tpu.memory_space<semaphore_mem>>) src(%dma_wait3A_21 : memref<13312xi32, #tpu.memory_space<hbm>>) dst(%arg5 : memref<13312xi32, #tpu.memory_space<vmem>>)
      tpu.yield
    }) : () -> ()
    %scan3A = arith.constant 0 : i32
    %scan3A_1 = arith.constant 0 : i32
    %scan3A_2 = arith.constant 104 : i32
    %scan3A_3 = arith.addi %scan3A_1, %scan3A_2 : i32
    %scan3A_4 = arith.constant 1 : i32
    scf.for %scan3A_11 = %scan3A_1 to %scan3A_3 step %scan3A_4  : i32 {
      %mul3A_12 = arith.constant 128 : i32
      %mul3A_13 = arith.muli %scan3A_11, %mul3A_12 : i32
      %mul3A_14 = arith.constant 128 : i32
      %mul3A_15 = arith.muli %scan3A_11, %mul3A_14 : i32
      %dma_start3A = tpu.memref_slice %arg6[%mul3A_15] : memref<13312xf32, #tpu.memory_space<vmem>> -> memref<128xf32, #tpu.memory_space<vmem>>
      %dma_start3A_16 = tpu.memref_slice %arg5[%mul3A_13] : memref<13312xi32, #tpu.memory_space<vmem>> -> memref<128xi32, #tpu.memory_space<vmem>>
      %dma_start3A_17 = arith.constant 0 : i32
      %dma_start3A_18 = tpu.memref_slice %arg2[%dma_start3A_17] : memref<2600000xf32, #tpu.memory_space<hbm>> -> memref<2600000xf32, #tpu.memory_space<hbm>>
      tpu.enqueue_indirect_dma source(%dma_start3A_18 : memref<2600000xf32, #tpu.memory_space<hbm>>) target(%dma_start3A : memref<128xf32, #tpu.memory_space<vmem>>) offsets(%dma_start3A_16 : memref<128xi32, #tpu.memory_space<vmem>>) semaphore(%arg7 : memref<!tpu.dma_semaphore, #tpu.memory_space<semaphore_mem>>)
    }
    %scan3A_5 = arith.constant 104 : i32
    %dma_wait3A = arith.constant 0 : i32
    %dma_wait3A_6 = tpu.memref_slice %arg4[%add3A, %dma_wait3A] : memref<32x13312xf32, #tpu.memory_space<hbm>> -> memref<1x13312xf32, #tpu.memory_space<hbm>>
    %dma_wait3A_7 = tpu.memref_squeeze %dma_wait3A_6 : memref<1x13312xf32, #tpu.memory_space<hbm>> -> memref<13312xf32, #tpu.memory_space<hbm>>
    %dma_wait3A_8 = arith.constant 0 : i32
    %dma_wait3A_9 = tpu.memref_slice %arg4[%add3A, %dma_wait3A_8] : memref<32x13312xf32, #tpu.memory_space<hbm>> -> memref<1x13312xf32, #tpu.memory_space<hbm>>
    %dma_wait3A_10 = tpu.memref_squeeze %dma_wait3A_9 : memref<1x13312xf32, #tpu.memory_space<hbm>> -> memref<13312xf32, #tpu.memory_space<hbm>>
    tpu.wait_dma2 semaphore(%arg7 : memref<!tpu.dma_semaphore, #tpu.memory_space<semaphore_mem>>) src(%dma_wait3A_10 : memref<13312xf32, #tpu.memory_space<hbm>>) dst(%arg6 : memref<13312xf32, #tpu.memory_space<vmem>>)
    "tpu.region"() ({
      %run_scoped3A = tpu.sem_alloc : memref<!tpu.dma_semaphore, #tpu.memory_space<semaphore_mem>>
      %dma_start3A = arith.constant 0 : i32
      %dma_start3A_11 = tpu.memref_slice %arg4[%add3A, %dma_start3A] : memref<32x13312xf32, #tpu.memory_space<hbm>> -> memref<1x13312xf32, #tpu.memory_space<hbm>>
      %dma_start3A_12 = tpu.memref_squeeze %dma_start3A_11 : memref<1x13312xf32, #tpu.memory_space<hbm>> -> memref<13312xf32, #tpu.memory_space<hbm>>
      %dma_start3A_13 = arith.constant 0 : i32
      %dma_start3A_14 = tpu.memref_slice %arg4[%add3A, %dma_start3A_13] : memref<32x13312xf32, #tpu.memory_space<hbm>> -> memref<1x13312xf32, #tpu.memory_space<hbm>>
      %dma_start3A_15 = tpu.memref_squeeze %dma_start3A_14 : memref<1x13312xf32, #tpu.memory_space<hbm>> -> memref<13312xf32, #tpu.memory_space<hbm>>
      tpu.enqueue_dma source(%arg6 : memref<13312xf32, #tpu.memory_space<vmem>>) target(%dma_start3A_15 : memref<13312xf32, #tpu.memory_space<hbm>>) target_semaphore(%run_scoped3A : memref<!tpu.dma_semaphore, #tpu.memory_space<semaphore_mem>>)
      %dma_wait3A_16 = arith.constant 0 : i32
      %dma_wait3A_17 = tpu.memref_slice %arg4[%add3A, %dma_wait3A_16] : memref<32x13312xf32, #tpu.memory_space<hbm>> -> memref<1x13312xf32, #tpu.memory_space<hbm>>
      %dma_wait3A_18 = tpu.memref_squeeze %dma_wait3A_17 : memref<1x13312xf32, #tpu.memory_space<hbm>> -> memref<13312xf32, #tpu.memory_space<hbm>>
      %dma_wait3A_19 = arith.constant 0 : i32
      %dma_wait3A_20 = tpu.memref_slice %arg4[%add3A, %dma_wait3A_19] : memref<32x13312xf32, #tpu.memory_space<hbm>> -> memref<1x13312xf32, #tpu.memory_space<hbm>>
      %dma_wait3A_21 = tpu.memref_squeeze %dma_wait3A_20 : memref<1x13312xf32, #tpu.memory_space<hbm>> -> memref<13312xf32, #tpu.memory_space<hbm>>
      tpu.wait_dma2 semaphore(%run_scoped3A : memref<!tpu.dma_semaphore, #tpu.memory_space<semaphore_mem>>) src(%arg6 : memref<13312xf32, #tpu.memory_space<vmem>>) dst(%dma_wait3A_21 : memref<13312xf32, #tpu.memory_space<hbm>>)
      tpu.yield
    }) : () -> ()
    return
  }
}

module attributes {stable_mosaic.version = 14 : i64} {
  func.func @_mlp_body(%arg0: i32, %arg1: memref<1024x13xf32, #tpu.memory_space<vmem>>, %arg2: memref<1024x104xf32, #tpu.memory_space<vmem>>, %arg3: memref<1024x26xf32, #tpu.memory_space<vmem>>, %arg4: memref<117x1024xf32, #tpu.memory_space<vmem>>, %arg5: memref<1x1024xf32, #tpu.memory_space<vmem>>, %arg6: memref<1024x512xf32, #tpu.memory_space<vmem>>, %arg7: memref<1x512xf32, #tpu.memory_space<vmem>>, %arg8: memref<512x256xf32, #tpu.memory_space<vmem>>, %arg9: memref<1x256xf32, #tpu.memory_space<vmem>>, %arg10: memref<256x1xf32, #tpu.memory_space<vmem>>, %arg11: memref<1x1xf32, #tpu.memory_space<smem>>, %arg12: memref<2x2xf32, #tpu.memory_space<smem>>, %arg13: memref<1x2xf32, #tpu.memory_space<smem>>, %arg14: memref<1024x2xf32, #tpu.memory_space<vmem>>) attributes {dimension_semantics = [#tpu.dimension_semantics<parallel>], iteration_bounds = array<i64: 16>, scalar_prefetch = 0 : i64, scratch_operands = 0 : i64, tpu.core_type = #tpu.core_type<tc>, window_params = [{transform_indices = @transform_0, window_bounds = array<i64: 1024, 13>}, {transform_indices = @transform_1, window_bounds = array<i64: 1024, 104>}, {transform_indices = @transform_2, window_bounds = array<i64: 1024, 26>}, {pipeline_mode = #tpu.pipeline_mode<synchronous>, transform_indices = @transform_3, window_bounds = array<i64: 117, 1024>}, {pipeline_mode = #tpu.pipeline_mode<synchronous>, transform_indices = @transform_4, window_bounds = array<i64: 1, 1024>}, {pipeline_mode = #tpu.pipeline_mode<synchronous>, transform_indices = @transform_5, window_bounds = array<i64: 1024, 512>}, {pipeline_mode = #tpu.pipeline_mode<synchronous>, transform_indices = @transform_6, window_bounds = array<i64: 1, 512>}, {pipeline_mode = #tpu.pipeline_mode<synchronous>, transform_indices = @transform_7, window_bounds = array<i64: 512, 256>}, {pipeline_mode = #tpu.pipeline_mode<synchronous>, transform_indices = @transform_8, window_bounds = array<i64: 1, 256>}, {pipeline_mode = #tpu.pipeline_mode<synchronous>, transform_indices = @transform_9, window_bounds = array<i64: 256, 1>}, {transform_indices = @transform_10, window_bounds = array<i64: 1, 1>}, {transform_indices = @transform_11, window_bounds = array<i64: 2, 2>}, {transform_indices = @transform_12, window_bounds = array<i64: 1, 2>}, {transform_indices = @transform_13, window_bounds = array<i64: 1024, 2>}]} {
    %get3A = arith.constant 0 : index
    %get3A_0 = arith.constant 0 : index
    %get3A_1 = vector.load %arg1[%get3A, %get3A_0] : memref<1024x13xf32, #tpu.memory_space<vmem>>, vector<1024x13xf32>
    %get3A_2 = arith.constant 0 : index
    %get3A_3 = arith.constant 0 : index
    %get3A_4 = vector.load %arg2[%get3A_2, %get3A_3] : memref<1024x104xf32, #tpu.memory_space<vmem>>, vector<1024x104xf32>
    %concatenate3A = tpu.concatenate %get3A_1, %get3A_4 in 1 : vector<1024x13xf32>, vector<1024x104xf32> -> vector<1024x117xf32>
    %get3A_5 = arith.constant 0 : index
    %get3A_6 = arith.constant 0 : index
    %get3A_7 = vector.load %arg4[%get3A_5, %get3A_6] : memref<117x1024xf32, #tpu.memory_space<vmem>>, vector<117x1024xf32>
    %convert_element_type3A = arith.truncf %concatenate3A : vector<1024x117xf32> to vector<1024x117xbf16>
    %convert_element_type3A_8 = arith.truncf %get3A_7 : vector<117x1024xf32> to vector<117x1024xbf16>
    %dot_general3A = arith.constant dense<0.000000e+00> : vector<1024x1024xf32>
    %dot_general3A_9 = tpu.matmul %convert_element_type3A, %convert_element_type3A_8, %dot_general3A {dimension_numbers = #tpu.dot_dimension_numbers<[1], [0], [0], [1], [0, 0, 1, 1], [], []>, transpose_lhs_hint = false} : vector<1024x117xbf16>, vector<117x1024xbf16>, vector<1024x1024xf32> -> vector<1024x1024xf32>
    %get3A_10 = arith.constant 0 : index
    %get3A_11 = arith.constant 0 : index
    %get3A_12 = vector.load %arg5[%get3A_10, %get3A_11] : memref<1x1024xf32, #tpu.memory_space<vmem>>, vector<1x1024xf32>
    %add3A = vector.broadcast %get3A_12 : vector<1x1024xf32> to vector<1024x1024xf32>
    %add3A_13 = arith.addf %dot_general3A_9, %add3A : vector<1024x1024xf32>
    %max3A = arith.constant 0.000000e+00 : f32
    %max3A_14 = vector.broadcast %max3A : f32 to vector<1024x1024xf32>
    %max3A_15 = arith.maximumf %add3A_13, %max3A_14 : vector<1024x1024xf32>
    %get3A_16 = arith.constant 0 : index
    %get3A_17 = arith.constant 0 : index
    %get3A_18 = vector.load %arg6[%get3A_16, %get3A_17] : memref<1024x512xf32, #tpu.memory_space<vmem>>, vector<1024x512xf32>
    %convert_element_type3A_19 = arith.truncf %max3A_15 : vector<1024x1024xf32> to vector<1024x1024xbf16>
    %convert_element_type3A_20 = arith.truncf %get3A_18 : vector<1024x512xf32> to vector<1024x512xbf16>
    %dot_general3A_21 = arith.constant dense<0.000000e+00> : vector<1024x512xf32>
    %dot_general3A_22 = tpu.matmul %convert_element_type3A_19, %convert_element_type3A_20, %dot_general3A_21 {dimension_numbers = #tpu.dot_dimension_numbers<[1], [0], [0], [1], [0, 0, 1, 1], [], []>, transpose_lhs_hint = false} : vector<1024x1024xbf16>, vector<1024x512xbf16>, vector<1024x512xf32> -> vector<1024x512xf32>
    %get3A_23 = arith.constant 0 : index
    %get3A_24 = arith.constant 0 : index
    %get3A_25 = vector.load %arg7[%get3A_23, %get3A_24] : memref<1x512xf32, #tpu.memory_space<vmem>>, vector<1x512xf32>
    %add3A_26 = vector.broadcast %get3A_25 : vector<1x512xf32> to vector<1024x512xf32>
    %add3A_27 = arith.addf %dot_general3A_22, %add3A_26 : vector<1024x512xf32>
    %max3A_28 = arith.constant 0.000000e+00 : f32
    %max3A_29 = vector.broadcast %max3A_28 : f32 to vector<1024x512xf32>
    %max3A_30 = arith.maximumf %add3A_27, %max3A_29 : vector<1024x512xf32>
    %get3A_31 = arith.constant 0 : index
    %get3A_32 = arith.constant 0 : index
    %get3A_33 = vector.load %arg8[%get3A_31, %get3A_32] : memref<512x256xf32, #tpu.memory_space<vmem>>, vector<512x256xf32>
    %convert_element_type3A_34 = arith.truncf %max3A_30 : vector<1024x512xf32> to vector<1024x512xbf16>
    %convert_element_type3A_35 = arith.truncf %get3A_33 : vector<512x256xf32> to vector<512x256xbf16>
    %dot_general3A_36 = arith.constant dense<0.000000e+00> : vector<1024x256xf32>
    %dot_general3A_37 = tpu.matmul %convert_element_type3A_34, %convert_element_type3A_35, %dot_general3A_36 {dimension_numbers = #tpu.dot_dimension_numbers<[1], [0], [0], [1], [0, 0, 1, 1], [], []>, transpose_lhs_hint = false} : vector<1024x512xbf16>, vector<512x256xbf16>, vector<1024x256xf32> -> vector<1024x256xf32>
    %get3A_38 = arith.constant 0 : index
    %get3A_39 = arith.constant 0 : index
    %get3A_40 = vector.load %arg9[%get3A_38, %get3A_39] : memref<1x256xf32, #tpu.memory_space<vmem>>, vector<1x256xf32>
    %add3A_41 = vector.broadcast %get3A_40 : vector<1x256xf32> to vector<1024x256xf32>
    %add3A_42 = arith.addf %dot_general3A_37, %add3A_41 : vector<1024x256xf32>
    %max3A_43 = arith.constant 0.000000e+00 : f32
    %max3A_44 = vector.broadcast %max3A_43 : f32 to vector<1024x256xf32>
    %max3A_45 = arith.maximumf %add3A_42, %max3A_44 : vector<1024x256xf32>
    %get3A_46 = arith.constant 0 : index
    %get3A_47 = arith.constant 0 : index
    %get3A_48 = vector.load %arg10[%get3A_46, %get3A_47] : memref<256x1xf32, #tpu.memory_space<vmem>>, vector<256x1xf32>
    %convert_element_type3A_49 = arith.truncf %max3A_45 : vector<1024x256xf32> to vector<1024x256xbf16>
    %convert_element_type3A_50 = arith.truncf %get3A_48 : vector<256x1xf32> to vector<256x1xbf16>
    %dot_general3A_51 = arith.constant dense<0.000000e+00> : vector<1024x1xf32>
    %dot_general3A_52 = tpu.matmul %convert_element_type3A_49, %convert_element_type3A_50, %dot_general3A_51 {dimension_numbers = #tpu.dot_dimension_numbers<[1], [0], [0], [1], [0, 0, 1, 1], [], []>, transpose_lhs_hint = false} : vector<1024x256xbf16>, vector<256x1xbf16>, vector<1024x1xf32> -> vector<1024x1xf32>
    %get3A_53 = arith.constant 0 : index
    %get3A_54 = arith.constant 0 : index
    %get3A_55 = memref.load %arg11[%get3A_53, %get3A_54] : memref<1x1xf32, #tpu.memory_space<smem>>
    %add3A_56 = vector.broadcast %get3A_55 : f32 to vector<1024x1xf32>
    %add3A_57 = arith.addf %dot_general3A_52, %add3A_56 : vector<1024x1xf32>
    %get3A_58 = arith.constant 0 : index
    %get3A_59 = arith.constant 0 : index
    %get3A_60 = vector.load %arg3[%get3A_58, %get3A_59] : memref<1024x26xf32, #tpu.memory_space<vmem>>, vector<1024x26xf32>
    %reduce_sum3A = arith.constant dense<0.000000e+00> : vector<1024xf32>
    %reduce_sum3A_61 = vector.multi_reduction <add>, %get3A_60, %reduce_sum3A [1] : vector<1024x26xf32> to vector<1024xf32>
    %broadcast_in_dim3A = vector.shape_cast %reduce_sum3A_61 : vector<1024xf32> to vector<1024x1xf32>
    %add3A_62 = arith.addf %broadcast_in_dim3A, %broadcast_in_dim3A : vector<1024x1xf32>
    %convert_element_type3A_63 = arith.truncf %add3A_62 : vector<1024x1xf32> to vector<1024x1xbf16>
    %convert_element_type3A_64 = arith.extf %convert_element_type3A_63 : vector<1024x1xbf16> to vector<1024x1xf32>
    %convert_element_type3A_65 = arith.truncf %add3A_57 : vector<1024x1xf32> to vector<1024x1xbf16>
    %convert_element_type3A_66 = arith.extf %convert_element_type3A_65 : vector<1024x1xbf16> to vector<1024x1xf32>
    %get3A_67 = arith.constant 0 : index
    %get3A_68 = arith.constant 0 : index
    %get3A_69 = memref.load %arg12[%get3A_67, %get3A_68] : memref<2x2xf32, #tpu.memory_space<smem>>
    %convert_element_type3A_70 = arith.truncf %get3A_69 : f32 to bf16
    %convert_element_type3A_71 = arith.extf %convert_element_type3A_70 : bf16 to f32
    %mul3A = vector.broadcast %convert_element_type3A_71 : f32 to vector<1024x1xf32>
    %mul3A_72 = arith.mulf %convert_element_type3A_64, %mul3A : vector<1024x1xf32>
    %get3A_73 = arith.constant 0 : index
    %get3A_74 = arith.constant 1 : index
    %get3A_75 = memref.load %arg12[%get3A_73, %get3A_74] : memref<2x2xf32, #tpu.memory_space<smem>>
    %convert_element_type3A_76 = arith.truncf %get3A_75 : f32 to bf16
    %convert_element_type3A_77 = arith.extf %convert_element_type3A_76 : bf16 to f32
    %mul3A_78 = vector.broadcast %convert_element_type3A_77 : f32 to vector<1024x1xf32>
    %mul3A_79 = arith.mulf %convert_element_type3A_66, %mul3A_78 : vector<1024x1xf32>
    %add3A_80 = arith.addf %mul3A_72, %mul3A_79 : vector<1024x1xf32>
    %get3A_81 = arith.constant 0 : index
    %get3A_82 = arith.constant 0 : index
    %get3A_83 = memref.load %arg13[%get3A_81, %get3A_82] : memref<1x2xf32, #tpu.memory_space<smem>>
    %add3A_84 = vector.broadcast %get3A_83 : f32 to vector<1024x1xf32>
    %add3A_85 = arith.addf %add3A_80, %add3A_84 : vector<1024x1xf32>
    %get3A_86 = arith.constant 1 : index
    %get3A_87 = arith.constant 0 : index
    %get3A_88 = memref.load %arg12[%get3A_86, %get3A_87] : memref<2x2xf32, #tpu.memory_space<smem>>
    %convert_element_type3A_89 = arith.truncf %get3A_88 : f32 to bf16
    %convert_element_type3A_90 = arith.extf %convert_element_type3A_89 : bf16 to f32
    %mul3A_91 = vector.broadcast %convert_element_type3A_90 : f32 to vector<1024x1xf32>
    %mul3A_92 = arith.mulf %convert_element_type3A_64, %mul3A_91 : vector<1024x1xf32>
    %get3A_93 = arith.constant 1 : index
    %get3A_94 = arith.constant 1 : index
    %get3A_95 = memref.load %arg12[%get3A_93, %get3A_94] : memref<2x2xf32, #tpu.memory_space<smem>>
    %convert_element_type3A_96 = arith.truncf %get3A_95 : f32 to bf16
    %convert_element_type3A_97 = arith.extf %convert_element_type3A_96 : bf16 to f32
    %mul3A_98 = vector.broadcast %convert_element_type3A_97 : f32 to vector<1024x1xf32>
    %mul3A_99 = arith.mulf %convert_element_type3A_66, %mul3A_98 : vector<1024x1xf32>
    %add3A_100 = arith.addf %mul3A_92, %mul3A_99 : vector<1024x1xf32>
    %get3A_101 = arith.constant 0 : index
    %get3A_102 = arith.constant 1 : index
    %get3A_103 = memref.load %arg13[%get3A_101, %get3A_102] : memref<1x2xf32, #tpu.memory_space<smem>>
    %add3A_104 = vector.broadcast %get3A_103 : f32 to vector<1024x1xf32>
    %add3A_105 = arith.addf %add3A_100, %add3A_104 : vector<1024x1xf32>
    %concatenate3A_106 = tpu.concatenate %add3A_85, %add3A_105 in 1 : vector<1024x1xf32>, vector<1024x1xf32> -> vector<1024x2xf32>
    %logistic3A = arith.negf %concatenate3A_106 : vector<1024x2xf32>
    %logistic3A_107 = math.exp %logistic3A : vector<1024x2xf32>
    %logistic3A_108 = arith.constant 1.000000e+00 : f32
    %logistic3A_109 = vector.broadcast %logistic3A_108 : f32 to vector<1024x2xf32>
    %logistic3A_110 = arith.addf %logistic3A_109, %logistic3A_107 : vector<1024x2xf32>
    %logistic3A_111 = arith.divf %logistic3A_109, %logistic3A_110 : vector<1024x2xf32>
    %swap3A = arith.constant 0 : index
    %swap3A_112 = arith.constant 0 : index
    %swap3A_113 = vector.load %arg14[%swap3A, %swap3A_112] : memref<1024x2xf32, #tpu.memory_space<vmem>>, vector<1024x2xf32>
    tpu.vector_store %arg14[%swap3A, %swap3A_112], %logistic3A_111 {strides = array<i32>} : memref<1024x2xf32, #tpu.memory_space<vmem>>, vector<1024x2xf32>,
    return
  }
  func.func @transform_0(%arg0: i32) -> (i32, i32) {
    %c0_i32 = arith.constant 0 : i32
    %c0_i32_0 = arith.constant 0 : i32
    return %arg0, %c0_i32 : i32, i32
  }
  func.func @transform_1(%arg0: i32) -> (i32, i32) {
    %c0_i32 = arith.constant 0 : i32
    %c0_i32_0 = arith.constant 0 : i32
    return %arg0, %c0_i32 : i32, i32
  }
  func.func @transform_2(%arg0: i32) -> (i32, i32) {
    %c0_i32 = arith.constant 0 : i32
    %c0_i32_0 = arith.constant 0 : i32
    return %arg0, %c0_i32 : i32, i32
  }
  func.func @transform_3(%arg0: i32) -> (i32, i32) {
    %c0_i32 = arith.constant 0 : i32
    %c0_i32_0 = arith.constant 0 : i32
    %c0_i32_1 = arith.constant 0 : i32
    return %c0_i32, %c0_i32_0 : i32, i32
  }
  func.func @transform_4(%arg0: i32) -> (i32, i32) {
    %c0_i32 = arith.constant 0 : i32
    %c0_i32_0 = arith.constant 0 : i32
    %c0_i32_1 = arith.constant 0 : i32
    return %c0_i32, %c0_i32_0 : i32, i32
  }
  func.func @transform_5(%arg0: i32) -> (i32, i32) {
    %c0_i32 = arith.constant 0 : i32
    %c0_i32_0 = arith.constant 0 : i32
    %c0_i32_1 = arith.constant 0 : i32
    return %c0_i32, %c0_i32_0 : i32, i32
  }
  func.func @transform_6(%arg0: i32) -> (i32, i32) {
    %c0_i32 = arith.constant 0 : i32
    %c0_i32_0 = arith.constant 0 : i32
    %c0_i32_1 = arith.constant 0 : i32
    return %c0_i32, %c0_i32_0 : i32, i32
  }
  func.func @transform_7(%arg0: i32) -> (i32, i32) {
    %c0_i32 = arith.constant 0 : i32
    %c0_i32_0 = arith.constant 0 : i32
    %c0_i32_1 = arith.constant 0 : i32
    return %c0_i32, %c0_i32_0 : i32, i32
  }
  func.func @transform_8(%arg0: i32) -> (i32, i32) {
    %c0_i32 = arith.constant 0 : i32
    %c0_i32_0 = arith.constant 0 : i32
    %c0_i32_1 = arith.constant 0 : i32
    return %c0_i32, %c0_i32_0 : i32, i32
  }
  func.func @transform_9(%arg0: i32) -> (i32, i32) {
    %c0_i32 = arith.constant 0 : i32
    %c0_i32_0 = arith.constant 0 : i32
    %c0_i32_1 = arith.constant 0 : i32
    return %c0_i32, %c0_i32_0 : i32, i32
  }
  func.func @transform_10(%arg0: i32) -> (i32, i32) {
    %c0_i32 = arith.constant 0 : i32
    %c0_i32_0 = arith.constant 0 : i32
    %c0_i32_1 = arith.constant 0 : i32
    return %c0_i32, %c0_i32_0 : i32, i32
  }
  func.func @transform_11(%arg0: i32) -> (i32, i32) {
    %c0_i32 = arith.constant 0 : i32
    %c0_i32_0 = arith.constant 0 : i32
    %c0_i32_1 = arith.constant 0 : i32
    return %c0_i32, %c0_i32_0 : i32, i32
  }
  func.func @transform_12(%arg0: i32) -> (i32, i32) {
    %c0_i32 = arith.constant 0 : i32
    %c0_i32_0 = arith.constant 0 : i32
    %c0_i32_1 = arith.constant 0 : i32
    return %c0_i32, %c0_i32_0 : i32, i32
  }
  func.func @transform_13(%arg0: i32) -> (i32, i32) {
    %c0_i32 = arith.constant 0 : i32
    %c0_i32_0 = arith.constant 0 : i32
    return %arg0, %c0_i32 : i32, i32
  }
}

</mosaic_0001>

<sc_bundles>
// kernel: kernel.5.cloned.1.call-start
scs
__scs_entry_jumppad:
0x0: {  	(pc) =	sbr.rel $0x88, $3  }
0x1: {  	(tag) =	ssettag $0x0;
	lr =	simm.s32 $0x1  }
0x2: {  	[smem:$0x3F94] =	sst lr;
	_ =	strace $0xD0000000  }
0x3: {  	_ = 	snop  }
0x4: {  	_ = 	snop  }
0x5: {  	_ = 	snop  }
0x6: {  	_ = 	snop  }
0x7: {  	_ = 	snop  }
__scs_overlays_trampoline_lowered:
0x8: {  	[smem:$0x3FA3] =	sst s0  }
0x9: {  	[smem:$0x3FA4] =	sst s1  }
0xa: {  	[smem:$0x3FA5] =	sst s2  }
0xb: {  	[smem:$0x3FA6] =	sst s3  }
0xc: {  	[smem:$0x3FA7] =	sst s4  }
0xd: {  	[smem:$0x3FA8] =	sst s5  }
0xe: {  	[smem:$0x3FA9] =	sst s6  }
0xf: {  	[smem:$0x3FAA] =	sst s7  }
0x10: {  	[smem:$0x3FAB] =	sst s8  }
0x11: {  	[smem:$0x3FAC] =	sst s9;
	s0 =	simm.s32 @!p0 $0x0  }
0x12: {  	s1 =	sld [smem:$0x3F92];
	s0 =	simm.s32 @p0 $0x1  }
0x13: {  	[smem:$0x3FAD] =	sst s0;
	s0 =	simm.s32 @!p1 $0x0  }
0x14: {  	s2 =	sld [smem:$0x3F91];
	s0 =	simm.s32 @p1 $0x1  }
0x15: {  	[smem:$0x3FAE] =	sst s0;
	s0 =	simm.s32 @!p2 $0x0  }
0x16: {  	s3 =	sld [smem:$0x3FDB];
	s0 =	simm.s32 @p2 $0x1  }
0x17: {  	s4 =	simm.s32 $0x1BF5;
	[smem:$0x3FB0] =	sst s0  }
0x18: {  	s0 =	sld [smem:$0x3F93];
	_ =	swait.ge [sflag:s4], $0x0  }
0x19: {  	s7 =	sld [smem:$0x3F94]  }
0x1a: {  	s8 =	sadd.s32 $0xFFFFE003, lr  }
0x1b: {  	s9 =	sadd.s32 $0xFFFFFEF7, lr;
	s5 =	simm.s32 $0xFFFFFFFF;
	p2 =	slt.u32 s8, $0xFFFFF086  }
0x1c: {  	p1 =	slt.u32 s9, $0xF7A;
	s5 =	simm.s32 @!p2 $0x0  }
0x1d: {  	s5 =	simm.s32 @p1 $0x1;
	p0 =	seq.s32 s7, s2  }
0x1e: {  	s7 =	smul.u32 @!p0 $0xF7A, s2;
	p2 =	seq.s32 @!p0 s5, $0x0  }
0x1f: {  	s9 =	smul.u32 $0xF7A, s1;
	s8 =	simm.s32 @!p0 $0x1BF5;
	p2 =	por !p2, p0  }
0x20: {  	[sflag:s8] =	ssyncset.s32 @!p0 $0xFFFFF086;
	s6 =	sadd.s32 @!p0 s3, s7;
	s7 =	simm.s32 @!p0 $0x108  }
0x21: {  	s3 =	sadd.s32 s3, s9;
	s6 =	sadd.s32 @!p0 $0x88, s6;
	s7 =	simm.s32 @p2 $0x1082  }
0x22: {  	[simem:s7], [sflag:s8] =	dma.local @!p0 [hbm:s6], $0xF7A  }
0x23: {  	s9 =	sor.u32 $0xD0000000, s2;
	s6 =	simm.s32 $0x108;
	_ =	swait.ge @!p0 [sflag:s8], $0x0  }
0x24: {  	s3 =	sadd.s32 $0x88, s3;
	s6 =	simm.s32 @!p1 $0x1082;
	[sflag:s4] =	ssyncset.s32 $0xFFFFF086  }
0x25: {  	[simem:s6], [sflag:s4] =	dma.local [hbm:s3], $0xF7A  }
0x26: {  	[smem:$0x3F94] =	sst s1;
	(tag) =	ssettag s2;
	_ =	strace s9  }
0x27: {  	s1 =	sld [smem:$0x3FA4]  }
0x28: {  	s2 =	sld [smem:$0x3FA5]  }
0x29: {  	s4 =	sld [smem:$0x3FA7]  }
0x2a: {  	p0 =	seq.s32 s5, $0x0;
	s5 =	sld [smem:$0x3FA8]  }
0x2b: {  	s6 =	sld [smem:$0x3FA9]  }
0x2c: {  	s7 =	sld [smem:$0x3FAA]  }
0x2d: {  	s3 =	simm.s32 $0x108;
	s8 =	sld [smem:$0x3FAB]  }
0x2e: {  	s3 =	simm.s32 @!p0 $0x1082;
	s9 =	sld [smem:$0x3FAC]  }
0x2f: {  	lr =	sadd.s32 s0, s3;
	s0 =	sld [smem:$0x3FA3]  }
0x30: {  	s3 =	sld [smem:$0x3FA6]  }
0x31: {  	[smem:$0x3FAF] =	sst s10  }
0x32: {  	s10 =	sld [smem:$0x3FAD];
	_ =	sdelay $0x3  }
0x33: {  	p0 =	seq.s32 s10, $0x1;
	s10 =	sld [smem:$0x3FAF];
	_ =	sdelay $0x3  }
0x34: {  	[smem:$0x3FAF] =	sst s10  }
0x35: {  	s10 =	sld [smem:$0x3FAE];
	_ =	sdelay $0x3  }
0x36: {  	p1 =	seq.s32 s10, $0x1;
	s10 =	sld [smem:$0x3FAF];
	_ =	sdelay $0x3  }
0x37: {  	[smem:$0x3FAF] =	sst s10  }
0x38: {  	s10 =	sld [smem:$0x3FB0]  }
0x39: {  	_ = 	snop;
	(pc) =	sbr.ind lr, $3  }
0x3a: {  	_ = 	snop  }
0x3b: {  	_ = 	snop  }
0x3c: {  	p2 =	seq.s32 s10, $0x1;
	s10 =	sld [smem:$0x3FAF]  }
0x3d: {  	_ =	shalt  }
0x3e: {  	_ =	shalt  }
0x3f: {  	_ =	shalt  }
0x40: {  	_ =	shalt  }
0x41: {  	_ =	shalt  }
0x42: {  	_ =	shalt  }
0x43: {  	_ =	shalt  }
0x44: {  	_ =	shalt  }
0x45: {  	_ =	shalt  }
0x46: {  	_ =	shalt  }
0x47: {  	_ =	shalt  }
0x48: {  	_ =	shalt  }
0x49: {  	_ =	shalt  }
0x4a: {  	_ =	shalt  }
0x4b: {  	_ =	shalt  }
0x4c: {  	_ =	shalt  }
0x4d: {  	_ =	shalt  }
0x4e: {  	_ =	shalt  }
0x4f: {  	_ =	shalt  }
0x50: {  	_ =	shalt  }
0x51: {  	_ =	shalt  }
0x52: {  	_ =	shalt  }
0x53: {  	_ =	shalt  }
0x54: {  	_ =	shalt  }
0x55: {  	_ =	shalt  }
0x56: {  	_ =	shalt  }
0x57: {  	_ =	shalt  }
0x58: {  	_ =	shalt  }
0x59: {  	_ =	shalt  }
0x5a: {  	_ =	shalt  }
0x5b: {  	_ =	shalt  }
0x5c: {  	_ =	shalt  }
0x5d: {  	_ =	shalt  }
0x5e: {  	_ =	shalt  }
0x5f: {  	_ =	shalt  }
0x60: {  	_ =	shalt  }
0x61: {  	_ =	shalt  }
0x62: {  	_ =	shalt  }
0x63: {  	_ =	shalt  }
0x64: {  	_ =	shalt  }
0x65: {  	_ =	shalt  }
0x66: {  	_ =	shalt  }
0x67: {  	_ =	shalt  }
0x68: {  	_ =	shalt  }
0x69: {  	_ =	shalt  }
0x6a: {  	_ =	shalt  }
0x6b: {  	_ =	shalt  }
0x6c: {  	_ =	shalt  }
0x6d: {  	_ =	shalt  }
0x6e: {  	_ =	shalt  }
0x6f: {  	_ =	shalt  }
0x70: {  	_ =	shalt  }
0x71: {  	_ =	shalt  }
0x72: {  	_ =	shalt  }
0x73: {  	_ =	shalt  }
0x74: {  	_ =	shalt  }
0x75: {  	_ =	shalt  }
0x76: {  	_ =	shalt  }
0x77: {  	_ =	shalt  }
0x78: {  	_ =	shalt  }
0x79: {  	_ =	shalt  }
0x7a: {  	_ =	shalt  }
0x7b: {  	_ =	shalt  }
0x7c: {  	_ =	shalt  }
0x7d: {  	_ =	shalt  }
0x7e: {  	_ =	shalt  }
0x7f: {  	_ =	shalt  }
0x80: {  	_ =	shalt  }
0x81: {  	_ =	shalt  }
0x82: {  	_ =	shalt  }
0x83: {  	_ =	shalt  }
0x84: {  	_ =	shalt  }
0x85: {  	_ =	shalt  }
0x86: {  	_ =	shalt  }
0x87: {  	_ =	shalt  }
.Lfunc_end0:
.L_simem_size_0:
called_computation_lowered:
.L_overlay_start_0:
0x88: {  	s2 =	sld [smem:$0x3FD9]  }
0x89: {  	s3 =	sld [smem:$0x3FFE];
	_ =	sdelay $0x1  }
0x8a: {  	s1 =	srdreg.scid  }
0x8b: {  	s0 =	sand.u32 $0x1, s1  }
0x8c: {  	s16 =	sshll.u32 s0, $0xA;
	s2 =	sadd.s32 s3, s2  }
0x8d: {  	s2 =	sadd.s32 s2, s16  }
0x8e: {  	[smem:$0x3FBB] =	sst s2  }
0x8f: {  	_ = 	snop  }
0x90: {  	(tm) =	ssettm $0x1  }
0x91: {  	s17 =	sld [smem:$0x3FFB];
	_ =	sdelay $0x3  }
0x92: {  	_ =	strace s17  }
0x93: {  	s2 =	sld [smem:$0x3FFC];
	_ =	sdelay $0x3  }
0x94: {  	_ =	strace s2  }
0x95: {  	s2 =	sld [smem:$0x3FFD];
	_ =	sdelay $0x3  }
0x96: {  	_ =	strace s2  }
0x97: {  	_ =	strace $0x8FFFFFFF  }
0x98: {  	s18 =	sld [smem:$0x3FDB];
	_ =	sdelay $0x1  }
0x99: {  	s19 =	simm.s32 $_scs_section_size  }
0x9a: {  	s4 =	simm.s32 $_size__tile_overlayer_lowered;
	s5 =	simm.s32 $_tile_overlayer_lowered  }
0x9b: {  	s22 =	simm.s32 $0x1BFF;
	s21 =	sshll.u32 s5, $0x1;
	s2 =	sadd.s32 s19, s18  }
0x9c: {  	s6 =	simm.s32 $0x0;
	s20 =	sshll.u32 s4, $0x1;
	s4 =	sadd.s32 s21, s2  }
0x9d: {  	[timem:s6], [sflag:s22] =	dma.local [hbm:s4], s20  }
0x9e: {  	_ =	swait.ge [sflag:s22], s20  }
0x9f: {  	s3 =	ssub.s32 $0x0, s20;
	[sflag:s22] =	ssyncset.done $0x0  }
0xa0: {  	[sflag:s22] =	ssyncadd.s32 s3;
	_ =	sdelay $0x1  }
0xa1: {  	s23 =	simm.s32 $0x1B8B  }
0xa2: {  	_ =	swait.ge [sflag:s23], $0x1  }
0xa3: {  	[sflag:s23] =	ssyncset.done $0x0  }
0xa4: {  	s25 =	simm.s32 $0x1B8E;
	s24 =	sld [smem:$0x3FFE];
	[sflag:s23] =	ssyncadd.s32 $0xFFFFFFFF  }
0xa5: {  	s26 =	simm.s32 $execute0_lowered;
	[smem:$0x3FD2] =	sst s25  }
0xa6: {  	s4 =	sshll.u32 s26, $0x1;
	_ =	strace $0x80000046;
	[dreg:$0x1] =	wrdreg $0xFFFFFFFF  }
0xa7: {  	s28 =	simm.s32 $_size_execute0_lowered;
	s2 =	sadd.s32 s2, s4;
	[dreg:$0x0] =	wrdreg $0x0  }
0xa8: {  	s4 =	sshll.u32 s28, $0x1;
	[dreg:$0x2] =	wrdreg s2  }
0xa9: {  	[dreg:$0x3] =	wrdreg s4  }
0xaa: {  	[dreg:$0x4] =	wrdreg $0xC0  }
0xab: {  	_ =	task [dreg:s6], $0x5FFFF  }
0xac: {  	[dreg:$0x1] =	wrdreg $0xFFFFFFFF  }
0xad: {  	[dreg:$0x0] =	wrdreg $0x60  }
0xae: {  	[dreg:$0x2] =	wrdreg s24  }
0xaf: {  	[dreg:$0x3] =	wrdreg $0x9  }
0xb0: {  	_ =	task.clear_ibuf [dreg:s6], $0x4FFFF;
	_ =	strace $0x90000046  }
0xb1: {  	s29 =	simm.s32 $0x9;
	_ =	strace $0x80000048  }
0xb2: {  	_ =	swait.ge [sflag:s29], $0x1  }
0xb3: {  	[sflag:s29] =	ssyncadd.s32 $0xFFFFFFFF  }
0xb4: {  	_ =	strace $0x90000048  }
0xb5: {  	_ =	sfence  }
0xb6: {  	s30 =	sld [smem:$0x0];
	_ =	sdelay $0x2  }
0xb7: {  	s31 =	sshll.u32 s1, $0xD;
	s1 =	sshrl.u32 s1, $0x2  }
0xb8: {  	s3 =	sand.u32 $0x4000, s31;
	s1 =	sadd.s32 s1, s30  }
0xb9: {  	s0 =	sor.u32 s3, s0;
	s1 =	sshll.u32 s1, $0x11  }
0xba: {  	s0 =	sor.u32 s1, s0  }
0xbb: {  	s0 =	sadd.s32 $0x8F2B, s0  }
0xbc: {  	[sflag:s0] =	ssyncadd.remote.s32 $0x1  }
0xbd: {  	_ =	sfence.sel $0xFFFF  }
0xbe: {  	[dreg:$0x0] =	wrdreg $0xFFFFFFFF;
	(pc) =	sbr.abs _section_cstart, $3  }
0xbf: {  	[dreg:$0x1] =	wrdreg $0xFFFFFFFF  }
0xc0: {  	_ =	task.clear_ibuf [dreg:s6], $0x2FFFF;
	_ =	strace $0x9FFFFFFF  }
0xc1: {  	(tm) =	ssettm $0x7FFFFFFF  }
tec
execute0_lowered:
.L_overlay_start_1:
0x0: {  	(tag) =	ssettag $0x1  }
0x1: {  	s1 =	srdreg.scid;
	s0 =	stileid.u32  }
0x2: {  	s5 =	rddreg [dreg:$0x0];
	s2 =	simm.s32 $0x0;
	s8 =	simm.s32 $0x80  }
0x3: {  	s9 =	simm.s32 $0x1;
	s4 =	sand.u32 $0x1, s1;
	s30 =	sshll.u32 s0, $0x1  }
0x4: {  	s10 =	simm.s32 $0x10400;
	s1 =	rddreg [dreg:$0x1];
	s3 =	sor.u32 s4, s30  }
0x5: {  	s11 =	simm.s32 $0x0;
	[smem:$0x7FF] =	sst s2;
	s6 =	smul.u32 $0x680, s3  }
0x6: {  	_ =	strace $0x80000047;
	s4 =	ssub.s32 $0x2, s4;
	s7 =	smul.u32 $0x1A00, s3  }
0x7: {  	v0 =	vlaneseq.u32;
	s3 =	sadd.s32 $0xF600, s5;
	s31 =	sshrl.u32 s4, $0x1;
	s6 =	sadd.s32 s6, s5  }
0x8: {  	v1 =	vand.u32 $0x3, v0;
	s5 =	sadd.s32 s7, s5;
	s7 =	ssub.s32 s4, s31;
	s4 =	sadd.s32 $0x2600, s6  }
0x9: {  	v0 =	vshrl.u32 v0, $0x2;
	v1 =	vmul.u32 $0x186A0, v1;
	s5 =	sadd.s32 $0x14CE00, s5;
	s6 =	smax.u32 s7, $0x1;
	s7 =	simm.s32 $0x2  }
.LBB2_1:
0xa: {  	v2 =	vor.u32 s2, v0  }
0xb: {  	[tilespmem:s2], [sflag:$0x2] =	stream.linear.gather [hbm4b:s4+s2], $0x3400, $0x38;
	[tilespmem:$0x1D400] =	vst v63  }
0xc: {  	_ =	swait.ge [sflag:s7], $0x3400  }
0xd: {  	[sflag:s7] =	ssyncset.done $0x0  }
0xe: {  	[sflag:s7] =	ssyncadd.s32 $0xFFFFCC00  }
0xf: {  	v2 =	vld.idx.msk [tilespmem:v2+s2+$0x0], $0xffff  }
0x10: {  	s12 =	simm.s32 $0x4  }
0x11: {  	v3 =	vor.u32 s12, v0;
	_ =	sdelay $0x2  }
0x12: {  	s12 =	simm.s32 $0x3400;
	v2 =	vadd.s32 v1, v2  }
0x13: {  	[tilespmem:s12+$0x0] =	vst v2  }
0x14: {  	v3 =	vld.idx.msk [tilespmem:v3+s2+$0x0], $0xffff  }
0x15: {  	s13 =	simm.s32 $0x8  }
0x16: {  	v2 =	vor.u32 s13, v0;
	s13 =	simm.s32 $0xC  }
.LBB2_2:
0x17: {  	p0 =	sne.s32 s13, $0x33FC;
	_ =	sdelay $0x1  }
0x18: {  	s12 =	sadd.s32 $0x10, s12;
	v3 =	vadd.s32 v1, v3  }
.Ltmp0:
0x19: {  	s14 =	simm.s32 $0x0;
	[tilespmem:s12+$0x0] =	vst v3;
	(pc) =	sbr.rel @p0 .LBB2_2-.Ltmp0, $2  }
0x1a: {  	v3 =	vld.idx.msk [tilespmem:v2+s14+$0x0], $0xffff;
	_ =	sdelay $0x2  }
0x1b: {  	v2 =	vor.u32 s13, v0;
	s13 =	sadd.s32 $0x4, s13  }
0x1c: {  	_ =	sdelay $0x1  }
0x1d: {  	s12 =	sadd.s32 $0x10, s12;
	v3 =	vadd.s32 v1, v3  }
0x1e: {  	[tilespmem:s12+$0x0] =	vst v3  }
0x1f: {  	v2 =	vld.idx.msk [tilespmem:v2+s14+$0x0], $0xffff  }
0x20: {  	p0 =	por $0x1, $0x1  }
.Ltmp1:
0x21: {  	_ = 	snop;
	(pc) =	sbr.rel @!p0 .LBB2_5-.Ltmp1, $3  }
0x22: {  	_ =	sdelay $0x1  }
0x23: {  	s12 =	sadd.s32 $0x10, s12;
	v2 =	vadd.s32 v1, v2  }
0x24: {  	s13 =	simm.s32 $0x10400;
	s14 =	simm.s32 $0x3400;
	[tilespmem:s12+$0x0] =	vst v2;
	s12 =	simm.s32 $0x200  }
.LBB2_4:
0x25: {  	[tilespmem:s13], [sflag:$0x1] =	stream.indirect.gather [hbm4b:s3+s8], $0x1, s14, s8, $0xb8;
	[tilespmem:$0x1D400] =	vst v63  }
0x26: {  	s13 =	smov.u32 s12;
	p0 =	sne.s32 s12, $0x33E00  }
.Ltmp2:
0x27: {  	s12 =	sadd.s32 $0x200, s12;
	(pc) =	sbr.rel @p0 .LBB2_4-.Ltmp2, $3  }
0x28: {  	_ =	sdelay $0x1  }
0x29: {  	s14 =	sshra.s32 s13, $0x2  }
0x2a: {  	s13 =	sadd.s32 $0x10400, s14;
	s14 =	sadd.s32 $0x3400, s14  }
.LBB2_5:
0x2b: {  	[tilespmem:s13], [sflag:$0x1] =	stream.indirect.gather [hbm4b:s3+s8], $0x1, s14, s8, $0xb8;
	[tilespmem:$0x1D400] =	vst v63  }
0x2c: {  	s11 =	sadd.s32 $0x1, s11;
	_ =	swait.ge [sflag:s9], $0xD000  }
0x2d: {  	p0 =	sne.s32 s11, s6;
	[sflag:s9] =	ssyncset.done $0x0  }
.Ltmp3:
0x2e: {  	[sflag:s9] =	ssyncadd.s32 $0xFFFF3000;
	(pc) =	sbr.rel @p0 .LBB2_1-.Ltmp3, $4  }
0x2f: {  	[hbm4b:s5+s2] =	stream.linear.scatter [tilespmem:s10], [sflag:$0x2], $0xD000, $0x38;
	[tilespmem:$0x1D400] =	vst v63  }
0x30: {  	_ =	swait.ge [sflag:s7], $0xD000  }
0x31: {  	[sflag:s7] =	ssyncset.done $0x0  }
0x32: {  	[sflag:s7] =	ssyncadd.s32 $0xFFFF3000  }
0x33: {  	_ =	sfence.sel $0x180000  }
0x34: {  	[bflag:$0x0] =	sbarrier.arrive $0xFFFF  }
0x35: {  	p0 =	sne.s32 s0, $0x0;
	_ =	strace $0x90000047  }
0x36: {  	s0 =	sadd.s32 @!p0 $0x100000, s1;
	[bflag:$0x2] =	sbarrier.arrive $0xFFFF  }
0x37: {  	[sflag:s0] =	ssyncadd.tile.s32 @!p0 $0x1;
	_ =	shalt  }
.Lfunc_end2:
_tile_overlayer_lowered:
.L_overlay_start_2:
0x38: {  	(tag) =	ssettag $0x2  }
0x39: {  	s0 =	rddreg [dreg:$0x0];
	s2 =	stileid.u32  }
0x3a: {  	s1 =	rddreg [dreg:$0x1];
	p0 =	sne.s32 s2, $0x0  }
0x3b: {  	s3 =	rddreg [dreg:$0x2];
	[bflag:$0x3] =	sbarrier.arrive $0xFFFF;
	s2 =	simm.s32 @!p0 $0x1C02  }
0x3c: {  	[timem:s3], [sflag:s2] =	dma.local @!p0 [hbm:s0], s1  }
0x3d: {  	s0 =	simm.s32 @!p0 $0x2  }
0x3e: {  	_ =	swait.ge @!p0 [sflag:s0], s1  }
0x3f: {  	s1 =	ssub.s32 @!p0 $0x0, s1;
	[sflag:s0] =	ssyncset.done @!p0 $0x0  }
0x40: {  	[sflag:s0] =	ssyncadd.s32 @!p0 s1  }
0x41: {  	[bflag:$0x3] =	sbarrier.arrive $0xFFFF  }
0x42: {  	_ =	shalt  }

// kernel: kernel.8.cloned.1.call-start
scs
__scs_entry_jumppad:
0x0: {  	(pc) =	sbr.rel $0x88, $3  }
0x1: {  	(tag) =	ssettag $0x0;
	lr =	simm.s32 $0x1  }
0x2: {  	[smem:$0x3F94] =	sst lr;
	_ =	strace $0xD0000000  }
0x3: {  	_ = 	snop  }
0x4: {  	_ = 	snop  }
0x5: {  	_ = 	snop  }
0x6: {  	_ = 	snop  }
0x7: {  	_ = 	snop  }
__scs_overlays_trampoline_lowered:
0x8: {  	[smem:$0x3FA3] =	sst s0  }
0x9: {  	[smem:$0x3FA4] =	sst s1  }
0xa: {  	[smem:$0x3FA5] =	sst s2  }
0xb: {  	[smem:$0x3FA6] =	sst s3  }
0xc: {  	[smem:$0x3FA7] =	sst s4  }
0xd: {  	[smem:$0x3FA8] =	sst s5  }
0xe: {  	[smem:$0x3FA9] =	sst s6  }
0xf: {  	[smem:$0x3FAA] =	sst s7  }
0x10: {  	[smem:$0x3FAB] =	sst s8  }
0x11: {  	[smem:$0x3FAC] =	sst s9;
	s0 =	simm.s32 @!p0 $0x0  }
0x12: {  	s1 =	sld [smem:$0x3F92];
	s0 =	simm.s32 @p0 $0x1  }
0x13: {  	[smem:$0x3FAD] =	sst s0;
	s0 =	simm.s32 @!p1 $0x0  }
0x14: {  	s2 =	sld [smem:$0x3F91];
	s0 =	simm.s32 @p1 $0x1  }
0x15: {  	[smem:$0x3FAE] =	sst s0;
	s0 =	simm.s32 @!p2 $0x0  }
0x16: {  	s3 =	sld [smem:$0x3FDB];
	s0 =	simm.s32 @p2 $0x1  }
0x17: {  	s4 =	simm.s32 $0x1BF5;
	[smem:$0x3FB0] =	sst s0  }
0x18: {  	s0 =	sld [smem:$0x3F93];
	_ =	swait.ge [sflag:s4], $0x0  }
0x19: {  	s7 =	sld [smem:$0x3F94]  }
0x1a: {  	s8 =	sadd.s32 $0xFFFFE003, lr  }
0x1b: {  	s9 =	sadd.s32 $0xFFFFFEF7, lr;
	s5 =	simm.s32 $0xFFFFFFFF;
	p2 =	slt.u32 s8, $0xFFFFF086  }
0x1c: {  	p1 =	slt.u32 s9, $0xF7A;
	s5 =	simm.s32 @!p2 $0x0  }
0x1d: {  	s5 =	simm.s32 @p1 $0x1;
	p0 =	seq.s32 s7, s2  }
0x1e: {  	s7 =	smul.u32 @!p0 $0xF7A, s2;
	p2 =	seq.s32 @!p0 s5, $0x0  }
0x1f: {  	s9 =	smul.u32 $0xF7A, s1;
	s8 =	simm.s32 @!p0 $0x1BF5;
	p2 =	por !p2, p0  }
0x20: {  	[sflag:s8] =	ssyncset.s32 @!p0 $0xFFFFF086;
	s6 =	sadd.s32 @!p0 s3, s7;
	s7 =	simm.s32 @!p0 $0x108  }
0x21: {  	s3 =	sadd.s32 s3, s9;
	s6 =	sadd.s32 @!p0 $0x88, s6;
	s7 =	simm.s32 @p2 $0x1082  }
0x22: {  	[simem:s7], [sflag:s8] =	dma.local @!p0 [hbm:s6], $0xF7A  }
0x23: {  	s9 =	sor.u32 $0xD0000000, s2;
	s6 =	simm.s32 $0x108;
	_ =	swait.ge @!p0 [sflag:s8], $0x0  }
0x24: {  	s3 =	sadd.s32 $0x88, s3;
	s6 =	simm.s32 @!p1 $0x1082;
	[sflag:s4] =	ssyncset.s32 $0xFFFFF086  }
0x25: {  	[simem:s6], [sflag:s4] =	dma.local [hbm:s3], $0xF7A  }
0x26: {  	[smem:$0x3F94] =	sst s1;
	(tag) =	ssettag s2;
	_ =	strace s9  }
0x27: {  	s1 =	sld [smem:$0x3FA4]  }
0x28: {  	s2 =	sld [smem:$0x3FA5]  }
0x29: {  	s4 =	sld [smem:$0x3FA7]  }
0x2a: {  	p0 =	seq.s32 s5, $0x0;
	s5 =	sld [smem:$0x3FA8]  }
0x2b: {  	s6 =	sld [smem:$0x3FA9]  }
0x2c: {  	s7 =	sld [smem:$0x3FAA]  }
0x2d: {  	s3 =	simm.s32 $0x108;
	s8 =	sld [smem:$0x3FAB]  }
0x2e: {  	s3 =	simm.s32 @!p0 $0x1082;
	s9 =	sld [smem:$0x3FAC]  }
0x2f: {  	lr =	sadd.s32 s0, s3;
	s0 =	sld [smem:$0x3FA3]  }
0x30: {  	s3 =	sld [smem:$0x3FA6]  }
0x31: {  	[smem:$0x3FAF] =	sst s10  }
0x32: {  	s10 =	sld [smem:$0x3FAD];
	_ =	sdelay $0x3  }
0x33: {  	p0 =	seq.s32 s10, $0x1;
	s10 =	sld [smem:$0x3FAF];
	_ =	sdelay $0x3  }
0x34: {  	[smem:$0x3FAF] =	sst s10  }
0x35: {  	s10 =	sld [smem:$0x3FAE];
	_ =	sdelay $0x3  }
0x36: {  	p1 =	seq.s32 s10, $0x1;
	s10 =	sld [smem:$0x3FAF];
	_ =	sdelay $0x3  }
0x37: {  	[smem:$0x3FAF] =	sst s10  }
0x38: {  	s10 =	sld [smem:$0x3FB0]  }
0x39: {  	_ = 	snop;
	(pc) =	sbr.ind lr, $3  }
0x3a: {  	_ = 	snop  }
0x3b: {  	_ = 	snop  }
0x3c: {  	p2 =	seq.s32 s10, $0x1;
	s10 =	sld [smem:$0x3FAF]  }
0x3d: {  	_ =	shalt  }
0x3e: {  	_ =	shalt  }
0x3f: {  	_ =	shalt  }
0x40: {  	_ =	shalt  }
0x41: {  	_ =	shalt  }
0x42: {  	_ =	shalt  }
0x43: {  	_ =	shalt  }
0x44: {  	_ =	shalt  }
0x45: {  	_ =	shalt  }
0x46: {  	_ =	shalt  }
0x47: {  	_ =	shalt  }
0x48: {  	_ =	shalt  }
0x49: {  	_ =	shalt  }
0x4a: {  	_ =	shalt  }
0x4b: {  	_ =	shalt  }
0x4c: {  	_ =	shalt  }
0x4d: {  	_ =	shalt  }
0x4e: {  	_ =	shalt  }
0x4f: {  	_ =	shalt  }
0x50: {  	_ =	shalt  }
0x51: {  	_ =	shalt  }
0x52: {  	_ =	shalt  }
0x53: {  	_ =	shalt  }
0x54: {  	_ =	shalt  }
0x55: {  	_ =	shalt  }
0x56: {  	_ =	shalt  }
0x57: {  	_ =	shalt  }
0x58: {  	_ =	shalt  }
0x59: {  	_ =	shalt  }
0x5a: {  	_ =	shalt  }
0x5b: {  	_ =	shalt  }
0x5c: {  	_ =	shalt  }
0x5d: {  	_ =	shalt  }
0x5e: {  	_ =	shalt  }
0x5f: {  	_ =	shalt  }
0x60: {  	_ =	shalt  }
0x61: {  	_ =	shalt  }
0x62: {  	_ =	shalt  }
0x63: {  	_ =	shalt  }
0x64: {  	_ =	shalt  }
0x65: {  	_ =	shalt  }
0x66: {  	_ =	shalt  }
0x67: {  	_ =	shalt  }
0x68: {  	_ =	shalt  }
0x69: {  	_ =	shalt  }
0x6a: {  	_ =	shalt  }
0x6b: {  	_ =	shalt  }
0x6c: {  	_ =	shalt  }
0x6d: {  	_ =	shalt  }
0x6e: {  	_ =	shalt  }
0x6f: {  	_ =	shalt  }
0x70: {  	_ =	shalt  }
0x71: {  	_ =	shalt  }
0x72: {  	_ =	shalt  }
0x73: {  	_ =	shalt  }
0x74: {  	_ =	shalt  }
0x75: {  	_ =	shalt  }
0x76: {  	_ =	shalt  }
0x77: {  	_ =	shalt  }
0x78: {  	_ =	shalt  }
0x79: {  	_ =	shalt  }
0x7a: {  	_ =	shalt  }
0x7b: {  	_ =	shalt  }
0x7c: {  	_ =	shalt  }
0x7d: {  	_ =	shalt  }
0x7e: {  	_ =	shalt  }
0x7f: {  	_ =	shalt  }
0x80: {  	_ =	shalt  }
0x81: {  	_ =	shalt  }
0x82: {  	_ =	shalt  }
0x83: {  	_ =	shalt  }
0x84: {  	_ =	shalt  }
0x85: {  	_ =	shalt  }
0x86: {  	_ =	shalt  }
0x87: {  	_ =	shalt  }
.Lfunc_end0:
.L_simem_size_0:
called_computation.1_lowered:
.L_overlay_start_0:
0x88: {  	s2 =	sld [smem:$0x3FD9]  }
0x89: {  	s3 =	sld [smem:$0x3FFE];
	_ =	sdelay $0x1  }
0x8a: {  	s1 =	srdreg.scid  }
0x8b: {  	s0 =	sand.u32 $0x1, s1  }
0x8c: {  	s17 =	sshll.u32 s0, $0xA;
	s2 =	sadd.s32 s3, s2  }
0x8d: {  	s2 =	sadd.s32 s2, s17  }
0x8e: {  	[smem:$0x3FBB] =	sst s2  }
0x8f: {  	_ = 	snop  }
0x90: {  	(tm) =	ssettm $0x1  }
0x91: {  	s18 =	sld [smem:$0x3FFB];
	_ =	sdelay $0x3  }
0x92: {  	_ =	strace s18  }
0x93: {  	s2 =	sld [smem:$0x3FFC];
	_ =	sdelay $0x3  }
0x94: {  	_ =	strace s2  }
0x95: {  	s2 =	sld [smem:$0x3FFD];
	_ =	sdelay $0x3  }
0x96: {  	_ =	strace s2  }
0x97: {  	_ =	strace $0x8FFFFFFF  }
0x98: {  	s19 =	sld [smem:$0x3FDB];
	_ =	sdelay $0x1  }
0x99: {  	s20 =	simm.s32 $_scs_section_size  }
0x9a: {  	s4 =	simm.s32 $_size__tile_overlayer_lowered;
	s5 =	simm.s32 $_tile_overlayer_lowered  }
0x9b: {  	s6 =	simm.s32 $0x1BFF;
	s21 =	sshll.u32 s5, $0x1;
	s3 =	sadd.s32 s20, s19  }
0x9c: {  	s22 =	simm.s32 $0x0;
	s4 =	sshll.u32 s4, $0x1;
	s5 =	sadd.s32 s21, s3  }
0x9d: {  	[timem:s22], [sflag:s6] =	dma.local [hbm:s5], s4  }
0x9e: {  	_ =	swait.ge [sflag:s6], s4  }
0x9f: {  	s4 =	ssub.s32 $0x0, s4;
	[sflag:s6] =	ssyncset.done $0x0  }
0xa0: {  	[sflag:s6] =	ssyncadd.s32 s4;
	_ =	sdelay $0x1  }
0xa1: {  	s23 =	simm.s32 $0x1B8B  }
0xa2: {  	_ =	swait.ge [sflag:s23], $0x1  }
0xa3: {  	[sflag:s23] =	ssyncset.done $0x0  }
0xa4: {  	[sflag:s23] =	ssyncadd.s32 $0xFFFFFFFF  }
0xa5: {  	s4 =	sld [smem:$0x0]  }
0xa6: {  	s5 =	sand.u32 $0xFFFFFFFE, s1  }
0xa7: {  	p0 =	sne.s32 s1, s5  }
0xa8: {  	s5 =	sshll.u32 @p0 s5, $0xE  }
0xa9: {  	s5 =	sadd.s32 @p0 $0x11B8D, s5;
	s6 =	sshll.u32 @p0 s4, $0x11  }
0xaa: {  	s5 =	sor.u32 @p0 s6, s5  }
0xab: {  	[sflag:s5] =	ssyncadd.remote.s32 @p0 $0x1;
	_ =	sdelay $0x1  }
0xac: {  	s5 =	simm.s32 @p0 $0x1B8D  }
0xad: {  	_ =	swait.eq @p0 [sflag:s5], $0x1  }
0xae: {  	[sflag:s5] =	ssyncadd.s32 @p0 $0xFFFFFFFF  }
0xaf: {  	s6 =	sshll.u32 @!p0 s1, $0xE  }
0xb0: {  	s6 =	sor.u32 @!p0 $0x4000, s6;
	s5 =	simm.s32 @!p0 $0x1B8D  }
0xb1: {  	s4 =	sshll.u32 @!p0 s4, $0x11;
	s6 =	sadd.s32 @!p0 $0x11B8D, s6;
	_ =	swait.eq @!p0 [sflag:s5], $0x1  }
0xb2: {  	s4 =	sor.u32 @!p0 s4, s6;
	[sflag:s5] =	ssyncadd.s32 @!p0 $0xFFFFFFFF  }
0xb3: {  	s25 =	simm.s32 $0x1B8E;
	s24 =	sld [smem:$0x3FFE];
	[sflag:s4] =	ssyncadd.remote.s32 @!p0 $0x1  }
0xb4: {  	s26 =	simm.s32 $execute0_lowered;
	[smem:$0x3FD2] =	sst s25  }
0xb5: {  	s5 =	sshll.u32 s26, $0x1;
	_ =	strace $0x80000049;
	[dreg:$0x1] =	wrdreg $0xFFFFFFFF  }
0xb6: {  	s28 =	simm.s32 $_size_execute0_lowered;
	s3 =	sadd.s32 s3, s5;
	[dreg:$0x0] =	wrdreg $0x0  }
0xb7: {  	s5 =	sshll.u32 s28, $0x1;
	[dreg:$0x2] =	wrdreg s3  }
0xb8: {  	[dreg:$0x3] =	wrdreg s5  }
0xb9: {  	[dreg:$0x4] =	wrdreg $0xC0  }
0xba: {  	_ =	task [dreg:s22], $0x5FFFF  }
0xbb: {  	[dreg:$0x1] =	wrdreg $0xFFFFFFFF  }
0xbc: {  	[dreg:$0x0] =	wrdreg $0x60  }
0xbd: {  	[dreg:$0x2] =	wrdreg s24  }
0xbe: {  	[dreg:$0x3] =	wrdreg $0xA  }
0xbf: {  	_ =	task.clear_ibuf [dreg:s22], $0x4FFFF;
	_ =	strace $0x90000049  }
0xc0: {  	s29 =	simm.s32 $0xA;
	_ =	strace $0x8000004B  }
0xc1: {  	_ =	swait.ge [sflag:s29], $0x1  }
0xc2: {  	[sflag:s29] =	ssyncadd.s32 $0xFFFFFFFF  }
0xc3: {  	_ =	strace $0x9000004B  }
0xc4: {  	_ =	sfence  }
0xc5: {  	s30 =	sld [smem:$0x0];
	_ =	sdelay $0x2  }
0xc6: {  	s31 =	sshll.u32 s1, $0xD;
	s1 =	sshrl.u32 s1, $0x2  }
0xc7: {  	s4 =	sand.u32 $0x4000, s31;
	s1 =	sadd.s32 s1, s30  }
0xc8: {  	s0 =	sor.u32 s4, s0;
	s1 =	sshll.u32 s1, $0x11  }
0xc9: {  	s0 =	sor.u32 s1, s0  }
0xca: {  	s0 =	sadd.s32 $0x8F2B, s0  }
0xcb: {  	[sflag:s0] =	ssyncadd.remote.s32 $0x1  }
0xcc: {  	_ =	sfence.sel $0xFFFF  }
0xcd: {  	[dreg:$0x0] =	wrdreg $0xFFFFFFFF;
	(pc) =	sbr.abs _section_cstart, $3  }
0xce: {  	[dreg:$0x1] =	wrdreg $0xFFFFFFFF  }
0xcf: {  	_ =	task.clear_ibuf [dreg:s22], $0x2FFFF;
	_ =	strace $0x9FFFFFFF  }
0xd0: {  	(tm) =	ssettm $0x7FFFFFFF  }
0xd1: {  	_ =	shalt  }
tec
execute0_lowered:
.L_overlay_start_1:
0x0: {  	(tag) =	ssettag $0x1  }
0x1: {  	s1 =	srdreg.scid  }
0x2: {  	s0 =	stileid.u32;
	s4 =	rddreg [dreg:$0x0]  }
0x3: {  	s2 =	simm.s32 $0x0;
	s7 =	simm.s32 $0x2;
	s8 =	simm.s32 $0x80  }
0x4: {  	s9 =	simm.s32 $0x1;
	s3 =	sand.u32 $0x1, s1;
	s5 =	sshll.u32 s0, $0x1  }
0x5: {  	s10 =	simm.s32 $0x3400;
	s11 =	simm.s32 $0x0;
	s5 =	sor.u32 s3, s5  }
0x6: {  	[smem:$0x7FF] =	sst s2;
	s6 =	ssub.s32 $0x2, s3;
	s5 =	smul.u32 $0x680, s5  }
0x7: {  	s1 =	rddreg [dreg:$0x1];
	_ =	strace $0x8000004A;
	s31 =	sshrl.u32 s6, $0x1  }
0x8: {  	s3 =	sadd.s32 $0x18DE00, s4;
	s6 =	ssub.s32 s6, s31;
	s5 =	sadd.s32 s5, s4  }
0x9: {  	s6 =	smax.u32 s6, $0x1;
	s4 =	sadd.s32 $0x180E00, s5;
	s5 =	sadd.s32 $0x1DD400, s5  }
.LBB2_1:
0xa: {  	[tilespmem:s2], [sflag:$0x2] =	stream.linear.gather [hbm4b:s4+s2], $0x3400, $0x38;
	[tilespmem:$0x6800] =	vst v63  }
0xb: {  	_ =	swait.ge [sflag:s7], $0x3400  }
0xc: {  	s12 =	simm.s32 $0x200;
	[sflag:s7] =	ssyncset.done $0x0  }
0xd: {  	s13 =	simm.s32 $0x0;
	s14 =	simm.s32 $0x3400;
	[sflag:s7] =	ssyncadd.s32 $0xFFFFCC00  }
.LBB2_2:
0xe: {  	[tilespmem:s14], [sflag:$0x1] =	stream.indirect.gather [hbm4b:s3+s8], $0x1, s13, s8, $0xb8;
	[tilespmem:$0x6800] =	vst v63  }
0xf: {  	s13 =	smov.u32 s12;
	p0 =	sne.s32 s12, $0xCE00  }
.Ltmp0:
0x10: {  	s12 =	sadd.s32 $0x200, s12;
	(pc) =	sbr.rel @p0 .LBB2_2-.Ltmp0, $3  }
0x11: {  	_ =	sdelay $0x1  }
0x12: {  	s13 =	sshra.s32 s13, $0x2  }
0x13: {  	s14 =	sadd.s32 $0x3400, s13  }
0x14: {  	[tilespmem:s14], [sflag:$0x1] =	stream.indirect.gather [hbm4b:s3+s8], $0x1, s13, s8, $0xb8;
	[tilespmem:$0x6800] =	vst v63  }
0x15: {  	s11 =	sadd.s32 $0x1, s11;
	_ =	swait.ge [sflag:s9], $0x3400  }
0x16: {  	p0 =	sne.s32 s11, s6;
	[sflag:s9] =	ssyncset.done $0x0  }
.Ltmp1:
0x17: {  	[sflag:s9] =	ssyncadd.s32 $0xFFFFCC00;
	(pc) =	sbr.rel @p0 .LBB2_1-.Ltmp1, $4  }
0x18: {  	[hbm4b:s5+s2] =	stream.linear.scatter [tilespmem:s10], [sflag:$0x2], $0x3400, $0x38;
	[tilespmem:$0x6800] =	vst v63  }
0x19: {  	_ =	swait.ge [sflag:s7], $0x3400  }
0x1a: {  	[sflag:s7] =	ssyncset.done $0x0  }
0x1b: {  	[sflag:s7] =	ssyncadd.s32 $0xFFFFCC00  }
0x1c: {  	_ =	sfence.sel $0x180000  }
0x1d: {  	[bflag:$0x0] =	sbarrier.arrive $0xFFFF  }
0x1e: {  	p0 =	sne.s32 s0, $0x0;
	_ =	strace $0x9000004A  }
0x1f: {  	s0 =	sadd.s32 @!p0 $0x100000, s1;
	[bflag:$0x2] =	sbarrier.arrive $0xFFFF  }
0x20: {  	[sflag:s0] =	ssyncadd.tile.s32 @!p0 $0x1;
	_ =	shalt  }
.Lfunc_end2:
_tile_overlayer_lowered:
.L_overlay_start_2:
0x21: {  	(tag) =	ssettag $0x2  }
0x22: {  	s0 =	rddreg [dreg:$0x0];
	s2 =	stileid.u32  }
0x23: {  	s1 =	rddreg [dreg:$0x1];
	p0 =	sne.s32 s2, $0x0  }
0x24: {  	s3 =	rddreg [dreg:$0x2];
	[bflag:$0x3] =	sbarrier.arrive $0xFFFF;
	s2 =	simm.s32 @!p0 $0x1C02  }
0x25: {  	[timem:s3], [sflag:s2] =	dma.local @!p0 [hbm:s0], s1  }
0x26: {  	s0 =	simm.s32 @!p0 $0x2  }
0x27: {  	_ =	swait.ge @!p0 [sflag:s0], s1  }
0x28: {  	s1 =	ssub.s32 @!p0 $0x0, s1;
	[sflag:s0] =	ssyncset.done @!p0 $0x0  }
0x29: {  	[sflag:s0] =	ssyncadd.s32 @!p0 s1  }
0x2a: {  	[bflag:$0x3] =	sbarrier.arrive $0xFFFF  }
0x2b: {  	_ =	shalt  }

</sc_bundles>
